<compile_context>
chip_gen: v7x
topology: tpu7x:2x2x1
jax: 0.10.2.dev20260603
libtpu: 0.0.44.dev20260713+nightly
codegen_flags: <defaults>
</compile_context>

<pallas_src>
import functools

import jax
import jax.numpy as jnp
from jax import lax
from jax.experimental import pallas as pl
from jax.experimental.pallas import tpu as pltpu
from jax.experimental.pallas import tpu_sc as plsc

N_NODES = 10000
N_EDGES = 320000
D = 128
NW = 16
B = 80
E_PER_TILE = N_EDGES // NW
C = E_PER_TILE // B
ROWS_PER_TILE = 624
STAGE_ROWS = 48
REM_BASE = 16 * ROWS_PER_TILE
REM_ROWS = N_NODES - REM_BASE

_mesh = plsc.VectorSubcoreMesh(core_axis_name="c", subcore_axis_name="s",
                               num_cores=1)


@functools.partial(
    pl.kernel,
    mesh=_mesh,
    out_type=(
        jax.ShapeDtypeStruct((N_NODES, D), jnp.float32),
        jax.ShapeDtypeStruct((N_NODES,), jnp.float32),
    ),
    scratch_types=[
        pltpu.VMEM((2, B), jnp.int32),
        pltpu.VMEM((2, B, D), jnp.float32),
        pltpu.VMEM((STAGE_ROWS, D), jnp.float32),
        pltpu.VMEM((B,), jnp.float32),
        pltpu.VMEM((ROWS_PER_TILE,), jnp.float32),
        pltpu.VMEM_SHARED((N_NODES, D), jnp.float32),
        pltpu.VMEM_SHARED((N_NODES,), jnp.float32),
        pltpu.SemaphoreType.DMA,
        pltpu.SemaphoreType.DMA,
        pltpu.SemaphoreType.DMA,
        pltpu.SemaphoreType.DMA,
    ],
)
def _sc_aggregate(nbr_hbm, idx_hbm, z_feat_hbm, ones1d_hbm, z_cnt1d_hbm,
                  sum_out, cnt_out, idx_v, rows_v, stage_v, ones_v,
                  cnt_stage_v, acc_sh, cnt_sh, sem0, sem1, semc, semz):
    sid = lax.axis_index("s")
    wid = sid
    base_n = sid * ROWS_PER_TILE

    def zero_acc():
        zs = [pltpu.make_async_copy(stage_v, acc_sh.at[pl.ds(base_n + k * STAGE_ROWS, STAGE_ROWS)], semz)
              for k in range(ROWS_PER_TILE // STAGE_ROWS)]
        zc = pltpu.make_async_copy(cnt_stage_v,
                                   cnt_sh.at[pl.ds(base_n, ROWS_PER_TILE)], semz)
        for z in zs:
            z.start()
        zc.start()
        for z in zs:
            z.wait()
        zc.wait()

        @pl.when(sid == 15)
        def _zero_rem():
            pltpu.sync_copy(stage_v.at[pl.ds(0, REM_ROWS)],
                            acc_sh.at[pl.ds(REM_BASE, REM_ROWS)])
            pltpu.sync_copy(cnt_stage_v.at[pl.ds(0, REM_ROWS)],
                            cnt_sh.at[pl.ds(REM_BASE, REM_ROWS)])

    def copy_acc_out(out_hbm):
        for k in range(ROWS_PER_TILE // STAGE_ROWS):
            o = base_n + k * STAGE_ROWS
            pltpu.sync_copy(acc_sh.at[pl.ds(o, STAGE_ROWS)], stage_v)
            pltpu.sync_copy(stage_v, out_hbm.at[pl.ds(o, STAGE_ROWS)])

        @pl.when(sid == 15)
        def _copy_rem():
            pltpu.sync_copy(acc_sh.at[pl.ds(REM_BASE, REM_ROWS)],
                            stage_v.at[pl.ds(0, REM_ROWS)])
            pltpu.sync_copy(stage_v.at[pl.ds(0, REM_ROWS)],
                            out_hbm.at[pl.ds(REM_BASE, REM_ROWS)])

    def idx_copy(e, slot, sem):
        return pltpu.make_async_copy(
            idx_hbm.at[pl.ds(wid * E_PER_TILE + e * B, B)],
            idx_v.at[slot], sem)

    def row_copy(e, slot, sem):
        return pltpu.make_async_copy(nbr_hbm.at[wid, e], rows_v.at[slot], sem)

    idx_copy(0, 0, sem0).start()
    row_copy(0, 0, sem0).start()
    pltpu.sync_copy(z_feat_hbm, stage_v)
    pltpu.sync_copy(ones1d_hbm, ones_v)
    pltpu.sync_copy(z_cnt1d_hbm, cnt_stage_v)
    zero_acc()
    plsc.subcore_barrier()

    def body_feat(j2, carry):
        e0 = 2 * j2
        idx_copy(e0 + 1, 1, sem1).start()
        row_copy(e0 + 1, 1, sem1).start()
        idx_copy(e0, 0, sem0).wait()
        cnt0 = pltpu.async_copy(ones_v, cnt_sh.at[idx_v.at[0]], semc,
                                add=True)
        row_copy(e0, 0, sem0).wait()
        pltpu.sync_copy(rows_v.at[0], acc_sh.at[idx_v.at[0]], add=True)
        cnt0.wait()

        @pl.when(j2 + 1 < C // 2)
        def _pref():
            idx_copy(e0 + 2, 0, sem0).start()
            row_copy(e0 + 2, 0, sem0).start()

        idx_copy(e0 + 1, 1, sem1).wait()
        cnt1 = pltpu.async_copy(ones_v, cnt_sh.at[idx_v.at[1]], semc,
                                add=True)
        row_copy(e0 + 1, 1, sem1).wait()
        pltpu.sync_copy(rows_v.at[1], acc_sh.at[idx_v.at[1]], add=True)
        cnt1.wait()
        return carry

    lax.fori_loop(0, C // 2, body_feat, 0)
    plsc.subcore_barrier()
    copy_acc_out(sum_out)
    pltpu.sync_copy(cnt_sh.at[pl.ds(base_n, ROWS_PER_TILE)], cnt_stage_v)
    pltpu.sync_copy(cnt_stage_v, cnt_out.at[pl.ds(base_n, ROWS_PER_TILE)])

    @pl.when(sid == 15)
    def _copy_cnt_rem():
        pltpu.sync_copy(cnt_sh.at[pl.ds(REM_BASE, REM_ROWS)],
                        cnt_stage_v.at[pl.ds(0, REM_ROWS)])
        pltpu.sync_copy(cnt_stage_v.at[pl.ds(0, REM_ROWS)],
                        cnt_out.at[pl.ds(REM_BASE, REM_ROWS)])


_TC_BLOCK = 1000


def _tc_body(self_ref, s_ref, c_ref, w_ref, o_ref):
    deg = c_ref[...]
    x = (self_ref[...] + s_ref[...]) / (deg + 1.0)
    o_ref[...] = jnp.dot(x, w_ref[...], preferred_element_type=jnp.float32)


def kernel(self_feat, nbr_feat, relation_src_indices, W):
    idx = relation_src_indices.astype(jnp.int32)
    nbr = nbr_feat.reshape(NW, C, B, D)
    z_feat = jnp.zeros((STAGE_ROWS, D), jnp.float32)
    ones1d = jnp.ones((B,), jnp.float32)
    z_cnt1d = jnp.zeros((ROWS_PER_TILE,), jnp.float32)

    sums, cnts = _sc_aggregate(nbr, idx, z_feat, ones1d, z_cnt1d)
    cnts = cnts.reshape(N_NODES, 1)

    out = pl.pallas_call(
        _tc_body,
        grid=(N_NODES // _TC_BLOCK,),
        in_specs=[
            pl.BlockSpec((_TC_BLOCK, D), lambda i: (i, 0)),
            pl.BlockSpec((_TC_BLOCK, D), lambda i: (i, 0)),
            pl.BlockSpec((_TC_BLOCK, 1), lambda i: (i, 0)),
            pl.BlockSpec((D, D), lambda i: (0, 0)),
        ],
        out_specs=pl.BlockSpec((_TC_BLOCK, D), lambda i: (i, 0)),
        out_shape=jax.ShapeDtypeStruct((N_NODES, D), jnp.float32),
    )(self_feat, sums, cnts, W)
    return out

# --- scband reference (transcript-rebuilt; emitter-appended) ---
"""Pipeline reference for scband-gcnaggregator-sparse-54863912239173 (READ-ONLY COPY).

The authoritative reference and input builder live on the scoring server;
editing this copy changes nothing except your own understanding.
"""

import jax, jax.numpy as jnp
import numpy as np

N_NODES = 10000
N_EDGES = 320000
D_FEAT = 128
OUT_DIM = 128

def setup_inputs(seed: int = 0) -> dict:
    key = jax.random.key(seed)
    k1, k2, k3, k4 = jax.random.split(key, 4)
    self_feat = jax.random.normal(k1, (N_NODES, D_FEAT), dtype=jnp.float32)
    nbr_feat = jax.random.normal(k2, (N_EDGES, D_FEAT), dtype=jnp.float32)
    relation_src_indices = jax.random.randint(k3, (N_EDGES,), 0, N_NODES, dtype=jnp.int64 if jax.config.jax_enable_x64 else jnp.int32)
    # Dense kernel (glorot_uniform), no bias
    limit = np.sqrt(6.0 / (D_FEAT + OUT_DIM))
    W = jax.random.uniform(k4, (D_FEAT, OUT_DIM), minval=-limit, maxval=limit, dtype=jnp.float32)
    return {"self_feat": self_feat, "nbr_feat": nbr_feat, "relation_src_indices": relation_src_indices, "W": W}

def reference(self_feat, nbr_feat, relation_src_indices, W):
    num_nodes = self_feat.shape[0]
    nbr_sum = jax.ops.segment_sum(nbr_feat, relation_src_indices, num_segments=num_nodes)
    degs = jax.ops.segment_sum(jnp.ones_like(nbr_feat), relation_src_indices, num_segments=num_nodes)
    output = (self_feat + nbr_sum) / (degs + 1.0)
    output = output @ W
    return output

if __name__ == "__main__":
    import jax
    _d = setup_inputs()
    print(jax.jit(kernel)(*tuple(_d.values())))

</pallas_src>

<mosaic_0001>
#map = affine_map<(d0, d1) -> (0, 0, 0, 0)>
#map1 = affine_map<(d0, d1) -> (0)>
#map2 = affine_map<(d0, d1) -> (0, 0)>
module attributes {stable_mosaic.version = 14 : i64} {
  func.func @_sc_aggregate(%arg0: i32, %arg1: i32, %arg2: memref<16x250x80x128xf32, #tpu.memory_space<hbm>>, %arg3: memref<320000xi32, #tpu.memory_space<hbm>>, %arg4: memref<48x128xf32, #tpu.memory_space<hbm>>, %arg5: memref<80xf32, #tpu.memory_space<hbm>>, %arg6: memref<624xf32, #tpu.memory_space<hbm>>, %arg7: memref<10000x128xf32, #tpu.memory_space<hbm>>, %arg8: memref<10000xf32, #tpu.memory_space<hbm>>, %arg9: memref<2x80xi32, #tpu.memory_space<vmem>>, %arg10: memref<2x80x128xf32, #tpu.memory_space<vmem>>, %arg11: memref<48x128xf32, #tpu.memory_space<vmem>>, %arg12: memref<80xf32, #tpu.memory_space<vmem>>, %arg13: memref<624xf32, #tpu.memory_space<vmem>>, %arg14: memref<10000x128xf32, #tpu.memory_space<vmem_shared>>, %arg15: memref<10000xf32, #tpu.memory_space<vmem_shared>>, %arg16: memref<!tpu.dma_semaphore, #tpu.memory_space<semaphore_mem>>, %arg17: memref<!tpu.dma_semaphore, #tpu.memory_space<semaphore_mem>>, %arg18: memref<!tpu.dma_semaphore, #tpu.memory_space<semaphore_mem>>, %arg19: memref<!tpu.dma_semaphore, #tpu.memory_space<semaphore_mem>>) attributes {dimension_semantics = [#tpu.dimension_semantics<core_parallel>, #tpu.dimension_semantics<subcore_parallel>], iteration_bounds = array<i64: 1, 16>, scalar_prefetch = 0 : i64, scratch_operands = 11 : i64, tpu.core_type = #tpu.core_type<sc_vector_subcore>, window_params = [{transform_indices = #map}, {transform_indices = #map1}, {transform_indices = #map2}, {transform_indices = #map1}, {transform_indices = #map1}, {transform_indices = #map2}, {transform_indices = #map1}]} {
    %mul3A = arith.constant 624 : i32
    %mul3A_0 = arith.muli %arg1, %mul3A : i32
    %mul3A_1 = arith.constant 20000 : i32
    %mul3A_2 = arith.muli %arg1, %mul3A_1 : i32
    %add3A = arith.constant 0 : i32
    %add3A_3 = arith.addi %mul3A_2, %add3A : i32
    %dma_start3A = arith.constant 0 : i32
    %dma_start3A_4 = arith.constant 0 : i32
    %dma_start3A_5 = tpu.memref_slice %arg9[%dma_start3A, %dma_start3A_4] : memref<2x80xi32, #tpu.memory_space<vmem>> -> memref<1x80xi32, #tpu.memory_space<vmem>>
    %dma_start3A_6 = tpu.memref_squeeze %dma_start3A_5 : memref<1x80xi32, #tpu.memory_space<vmem>> -> memref<80xi32, #tpu.memory_space<vmem>>
    %dma_start3A_7 = tpu.memref_slice %arg3[%add3A_3] : memref<320000xi32, #tpu.memory_space<hbm>> -> memref<80xi32, #tpu.memory_space<hbm>>
    %dma_start3A_8 = arith.constant 0 : i32
    %dma_start3A_9 = tpu.memref_slice %arg9[%dma_start3A, %dma_start3A_8] : memref<2x80xi32, #tpu.memory_space<vmem>> -> memref<1x80xi32, #tpu.memory_space<vmem>>
    %dma_start3A_10 = tpu.memref_squeeze %dma_start3A_9 : memref<1x80xi32, #tpu.memory_space<vmem>> -> memref<80xi32, #tpu.memory_space<vmem>>
    %dma_start3A_11 = tpu.memref_slice %arg3[%add3A_3] : memref<320000xi32, #tpu.memory_space<hbm>> -> memref<80xi32, #tpu.memory_space<hbm>>
    tpu.enqueue_dma source(%dma_start3A_11 : memref<80xi32, #tpu.memory_space<hbm>>) target(%dma_start3A_10 : memref<80xi32, #tpu.memory_space<vmem>>) target_semaphore(%arg16 : memref<!tpu.dma_semaphore, #tpu.memory_space<semaphore_mem>>)
    %dma_start3A_12 = arith.constant 0 : i32
    %dma_start3A_13 = arith.constant 0 : i32
    %dma_start3A_14 = arith.constant 0 : i32
    %dma_start3A_15 = arith.constant 0 : i32
    %dma_start3A_16 = tpu.memref_slice %arg10[%dma_start3A_13, %dma_start3A_14, %dma_start3A_15] : memref<2x80x128xf32, #tpu.memory_space<vmem>> -> memref<1x80x128xf32, #tpu.memory_space<vmem>>
    %dma_start3A_17 = tpu.memref_squeeze %dma_start3A_16 : memref<1x80x128xf32, #tpu.memory_space<vmem>> -> memref<80x128xf32, #tpu.memory_space<vmem>>
    %dma_start3A_18 = arith.constant 0 : i32
    %dma_start3A_19 = arith.constant 0 : i32
    %dma_start3A_20 = tpu.memref_slice %arg2[%arg1, %dma_start3A_12, %dma_start3A_18, %dma_start3A_19] : memref<16x250x80x128xf32, #tpu.memory_space<hbm>> -> memref<1x1x80x128xf32, #tpu.memory_space<hbm>>
    %dma_start3A_21 = tpu.memref_squeeze %dma_start3A_20 : memref<1x1x80x128xf32, #tpu.memory_space<hbm>> -> memref<80x128xf32, #tpu.memory_space<hbm>>
    %dma_start3A_22 = arith.constant 0 : i32
    %dma_start3A_23 = arith.constant 0 : i32
    %dma_start3A_24 = tpu.memref_slice %arg10[%dma_start3A_13, %dma_start3A_22, %dma_start3A_23] : memref<2x80x128xf32, #tpu.memory_space<vmem>> -> memref<1x80x128xf32, #tpu.memory_space<vmem>>
    %dma_start3A_25 = tpu.memref_squeeze %dma_start3A_24 : memref<1x80x128xf32, #tpu.memory_space<vmem>> -> memref<80x128xf32, #tpu.memory_space<vmem>>
    %dma_start3A_26 = arith.constant 0 : i32
    %dma_start3A_27 = arith.constant 0 : i32
    %dma_start3A_28 = tpu.memref_slice %arg2[%arg1, %dma_start3A_12, %dma_start3A_26, %dma_start3A_27] : memref<16x250x80x128xf32, #tpu.memory_space<hbm>> -> memref<1x1x80x128xf32, #tpu.memory_space<hbm>>
    %dma_start3A_29 = tpu.memref_squeeze %dma_start3A_28 : memref<1x1x80x128xf32, #tpu.memory_space<hbm>> -> memref<80x128xf32, #tpu.memory_space<hbm>>
    tpu.enqueue_dma source(%dma_start3A_29 : memref<80x128xf32, #tpu.memory_space<hbm>>) target(%dma_start3A_25 : memref<80x128xf32, #tpu.memory_space<vmem>>) target_semaphore(%arg16 : memref<!tpu.dma_semaphore, #tpu.memory_space<semaphore_mem>>)
    "tpu.region"() ({
      %run_scoped3A = tpu.sem_alloc : memref<!tpu.dma_semaphore, #tpu.memory_space<semaphore_mem>>
      tpu.enqueue_dma source(%arg4 : memref<48x128xf32, #tpu.memory_space<hbm>>) target(%arg11 : memref<48x128xf32, #tpu.memory_space<vmem>>) target_semaphore(%run_scoped3A : memref<!tpu.dma_semaphore, #tpu.memory_space<semaphore_mem>>)
      tpu.wait_dma2 semaphore(%run_scoped3A : memref<!tpu.dma_semaphore, #tpu.memory_space<semaphore_mem>>) src(%arg4 : memref<48x128xf32, #tpu.memory_space<hbm>>) dst(%arg11 : memref<48x128xf32, #tpu.memory_space<vmem>>)
      tpu.yield
    }) : () -> ()
    "tpu.region"() ({
      %run_scoped3A = tpu.sem_alloc : memref<!tpu.dma_semaphore, #tpu.memory_space<semaphore_mem>>
      tpu.enqueue_dma source(%arg5 : memref<80xf32, #tpu.memory_space<hbm>>) target(%arg12 : memref<80xf32, #tpu.memory_space<vmem>>) target_semaphore(%run_scoped3A : memref<!tpu.dma_semaphore, #tpu.memory_space<semaphore_mem>>)
      tpu.wait_dma2 semaphore(%run_scoped3A : memref<!tpu.dma_semaphore, #tpu.memory_space<semaphore_mem>>) src(%arg5 : memref<80xf32, #tpu.memory_space<hbm>>) dst(%arg12 : memref<80xf32, #tpu.memory_space<vmem>>)
      tpu.yield
    }) : () -> ()
    "tpu.region"() ({
      %run_scoped3A = tpu.sem_alloc : memref<!tpu.dma_semaphore, #tpu.memory_space<semaphore_mem>>
      tpu.enqueue_dma source(%arg6 : memref<624xf32, #tpu.memory_space<hbm>>) target(%arg13 : memref<624xf32, #tpu.memory_space<vmem>>) target_semaphore(%run_scoped3A : memref<!tpu.dma_semaphore, #tpu.memory_space<semaphore_mem>>)
      tpu.wait_dma2 semaphore(%run_scoped3A : memref<!tpu.dma_semaphore, #tpu.memory_space<semaphore_mem>>) src(%arg6 : memref<624xf32, #tpu.memory_space<hbm>>) dst(%arg13 : memref<624xf32, #tpu.memory_space<vmem>>)
      tpu.yield
    }) : () -> ()
    %add3A_30 = arith.constant 0 : i32
    %add3A_31 = arith.addi %mul3A_0, %add3A_30 : i32
    %add3A_32 = arith.constant 48 : i32
    %add3A_33 = arith.addi %mul3A_0, %add3A_32 : i32
    %add3A_34 = arith.constant 96 : i32
    %add3A_35 = arith.addi %mul3A_0, %add3A_34 : i32
    %add3A_36 = arith.constant 144 : i32
    %add3A_37 = arith.addi %mul3A_0, %add3A_36 : i32
    %add3A_38 = arith.constant 192 : i32
    %add3A_39 = arith.addi %mul3A_0, %add3A_38 : i32
    %add3A_40 = arith.constant 240 : i32
    %add3A_41 = arith.addi %mul3A_0, %add3A_40 : i32
    %add3A_42 = arith.constant 288 : i32
    %add3A_43 = arith.addi %mul3A_0, %add3A_42 : i32
    %add3A_44 = arith.constant 336 : i32
    %add3A_45 = arith.addi %mul3A_0, %add3A_44 : i32
    %add3A_46 = arith.constant 384 : i32
    %add3A_47 = arith.addi %mul3A_0, %add3A_46 : i32
    %add3A_48 = arith.constant 432 : i32
    %add3A_49 = arith.addi %mul3A_0, %add3A_48 : i32
    %add3A_50 = arith.constant 480 : i32
    %add3A_51 = arith.addi %mul3A_0, %add3A_50 : i32
    %add3A_52 = arith.constant 528 : i32
    %add3A_53 = arith.addi %mul3A_0, %add3A_52 : i32
    %add3A_54 = arith.constant 576 : i32
    %add3A_55 = arith.addi %mul3A_0, %add3A_54 : i32
    %dma_start3A_56 = arith.constant 0 : i32
    %dma_start3A_57 = tpu.memref_slice %arg14[%add3A_31, %dma_start3A_56] : memref<10000x128xf32, #tpu.memory_space<vmem_shared>> -> memref<48x128xf32, #tpu.memory_space<vmem_shared>>
    %dma_start3A_58 = arith.constant 0 : i32
    %dma_start3A_59 = tpu.memref_slice %arg14[%add3A_31, %dma_start3A_58] : memref<10000x128xf32, #tpu.memory_space<vmem_shared>> -> memref<48x128xf32, #tpu.memory_space<vmem_shared>>
    tpu.enqueue_dma source(%arg11 : memref<48x128xf32, #tpu.memory_space<vmem>>) target(%dma_start3A_59 : memref<48x128xf32, #tpu.memory_space<vmem_shared>>) target_semaphore(%arg19 : memref<!tpu.dma_semaphore, #tpu.memory_space<semaphore_mem>>)
    %dma_start3A_60 = arith.constant 0 : i32
    %dma_start3A_61 = tpu.memref_slice %arg14[%add3A_33, %dma_start3A_60] : memref<10000x128xf32, #tpu.memory_space<vmem_shared>> -> memref<48x128xf32, #tpu.memory_space<vmem_shared>>
    %dma_start3A_62 = arith.constant 0 : i32
    %dma_start3A_63 = tpu.memref_slice %arg14[%add3A_33, %dma_start3A_62] : memref<10000x128xf32, #tpu.memory_space<vmem_shared>> -> memref<48x128xf32, #tpu.memory_space<vmem_shared>>
    tpu.enqueue_dma source(%arg11 : memref<48x128xf32, #tpu.memory_space<vmem>>) target(%dma_start3A_63 : memref<48x128xf32, #tpu.memory_space<vmem_shared>>) target_semaphore(%arg19 : memref<!tpu.dma_semaphore, #tpu.memory_space<semaphore_mem>>)
    %dma_start3A_64 = arith.constant 0 : i32
    %dma_start3A_65 = tpu.memref_slice %arg14[%add3A_35, %dma_start3A_64] : memref<10000x128xf32, #tpu.memory_space<vmem_shared>> -> memref<48x128xf32, #tpu.memory_space<vmem_shared>>
    %dma_start3A_66 = arith.constant 0 : i32
    %dma_start3A_67 = tpu.memref_slice %arg14[%add3A_35, %dma_start3A_66] : memref<10000x128xf32, #tpu.memory_space<vmem_shared>> -> memref<48x128xf32, #tpu.memory_space<vmem_shared>>
    tpu.enqueue_dma source(%arg11 : memref<48x128xf32, #tpu.memory_space<vmem>>) target(%dma_start3A_67 : memref<48x128xf32, #tpu.memory_space<vmem_shared>>) target_semaphore(%arg19 : memref<!tpu.dma_semaphore, #tpu.memory_space<semaphore_mem>>)
    %dma_start3A_68 = arith.constant 0 : i32
    %dma_start3A_69 = tpu.memref_slice %arg14[%add3A_37, %dma_start3A_68] : memref<10000x128xf32, #tpu.memory_space<vmem_shared>> -> memref<48x128xf32, #tpu.memory_space<vmem_shared>>
    %dma_start3A_70 = arith.constant 0 : i32
    %dma_start3A_71 = tpu.memref_slice %arg14[%add3A_37, %dma_start3A_70] : memref<10000x128xf32, #tpu.memory_space<vmem_shared>> -> memref<48x128xf32, #tpu.memory_space<vmem_shared>>
    tpu.enqueue_dma source(%arg11 : memref<48x128xf32, #tpu.memory_space<vmem>>) target(%dma_start3A_71 : memref<48x128xf32, #tpu.memory_space<vmem_shared>>) target_semaphore(%arg19 : memref<!tpu.dma_semaphore, #tpu.memory_space<semaphore_mem>>)
    %dma_start3A_72 = arith.constant 0 : i32
    %dma_start3A_73 = tpu.memref_slice %arg14[%add3A_39, %dma_start3A_72] : memref<10000x128xf32, #tpu.memory_space<vmem_shared>> -> memref<48x128xf32, #tpu.memory_space<vmem_shared>>
    %dma_start3A_74 = arith.constant 0 : i32
    %dma_start3A_75 = tpu.memref_slice %arg14[%add3A_39, %dma_start3A_74] : memref<10000x128xf32, #tpu.memory_space<vmem_shared>> -> memref<48x128xf32, #tpu.memory_space<vmem_shared>>
    tpu.enqueue_dma source(%arg11 : memref<48x128xf32, #tpu.memory_space<vmem>>) target(%dma_start3A_75 : memref<48x128xf32, #tpu.memory_space<vmem_shared>>) target_semaphore(%arg19 : memref<!tpu.dma_semaphore, #tpu.memory_space<semaphore_mem>>)
    %dma_start3A_76 = arith.constant 0 : i32
    %dma_start3A_77 = tpu.memref_slice %arg14[%add3A_41, %dma_start3A_76] : memref<10000x128xf32, #tpu.memory_space<vmem_shared>> -> memref<48x128xf32, #tpu.memory_space<vmem_shared>>
    %dma_start3A_78 = arith.constant 0 : i32
    %dma_start3A_79 = tpu.memref_slice %arg14[%add3A_41, %dma_start3A_78] : memref<10000x128xf32, #tpu.memory_space<vmem_shared>> -> memref<48x128xf32, #tpu.memory_space<vmem_shared>>
    tpu.enqueue_dma source(%arg11 : memref<48x128xf32, #tpu.memory_space<vmem>>) target(%dma_start3A_79 : memref<48x128xf32, #tpu.memory_space<vmem_shared>>) target_semaphore(%arg19 : memref<!tpu.dma_semaphore, #tpu.memory_space<semaphore_mem>>)
    %dma_start3A_80 = arith.constant 0 : i32
    %dma_start3A_81 = tpu.memref_slice %arg14[%add3A_43, %dma_start3A_80] : memref<10000x128xf32, #tpu.memory_space<vmem_shared>> -> memref<48x128xf32, #tpu.memory_space<vmem_shared>>
    %dma_start3A_82 = arith.constant 0 : i32
    %dma_start3A_83 = tpu.memref_slice %arg14[%add3A_43, %dma_start3A_82] : memref<10000x128xf32, #tpu.memory_space<vmem_shared>> -> memref<48x128xf32, #tpu.memory_space<vmem_shared>>
    tpu.enqueue_dma source(%arg11 : memref<48x128xf32, #tpu.memory_space<vmem>>) target(%dma_start3A_83 : memref<48x128xf32, #tpu.memory_space<vmem_shared>>) target_semaphore(%arg19 : memref<!tpu.dma_semaphore, #tpu.memory_space<semaphore_mem>>)
    %dma_start3A_84 = arith.constant 0 : i32
    %dma_start3A_85 = tpu.memref_slice %arg14[%add3A_45, %dma_start3A_84] : memref<10000x128xf32, #tpu.memory_space<vmem_shared>> -> memref<48x128xf32, #tpu.memory_space<vmem_shared>>
    %dma_start3A_86 = arith.constant 0 : i32
    %dma_start3A_87 = tpu.memref_slice %arg14[%add3A_45, %dma_start3A_86] : memref<10000x128xf32, #tpu.memory_space<vmem_shared>> -> memref<48x128xf32, #tpu.memory_space<vmem_shared>>
    tpu.enqueue_dma source(%arg11 : memref<48x128xf32, #tpu.memory_space<vmem>>) target(%dma_start3A_87 : memref<48x128xf32, #tpu.memory_space<vmem_shared>>) target_semaphore(%arg19 : memref<!tpu.dma_semaphore, #tpu.memory_space<semaphore_mem>>)
    %dma_start3A_88 = arith.constant 0 : i32
    %dma_start3A_89 = tpu.memref_slice %arg14[%add3A_47, %dma_start3A_88] : memref<10000x128xf32, #tpu.memory_space<vmem_shared>> -> memref<48x128xf32, #tpu.memory_space<vmem_shared>>
    %dma_start3A_90 = arith.constant 0 : i32
    %dma_start3A_91 = tpu.memref_slice %arg14[%add3A_47, %dma_start3A_90] : memref<10000x128xf32, #tpu.memory_space<vmem_shared>> -> memref<48x128xf32, #tpu.memory_space<vmem_shared>>
    tpu.enqueue_dma source(%arg11 : memref<48x128xf32, #tpu.memory_space<vmem>>) target(%dma_start3A_91 : memref<48x128xf32, #tpu.memory_space<vmem_shared>>) target_semaphore(%arg19 : memref<!tpu.dma_semaphore, #tpu.memory_space<semaphore_mem>>)
    %dma_start3A_92 = arith.constant 0 : i32
    %dma_start3A_93 = tpu.memref_slice %arg14[%add3A_49, %dma_start3A_92] : memref<10000x128xf32, #tpu.memory_space<vmem_shared>> -> memref<48x128xf32, #tpu.memory_space<vmem_shared>>
    %dma_start3A_94 = arith.constant 0 : i32
    %dma_start3A_95 = tpu.memref_slice %arg14[%add3A_49, %dma_start3A_94] : memref<10000x128xf32, #tpu.memory_space<vmem_shared>> -> memref<48x128xf32, #tpu.memory_space<vmem_shared>>
    tpu.enqueue_dma source(%arg11 : memref<48x128xf32, #tpu.memory_space<vmem>>) target(%dma_start3A_95 : memref<48x128xf32, #tpu.memory_space<vmem_shared>>) target_semaphore(%arg19 : memref<!tpu.dma_semaphore, #tpu.memory_space<semaphore_mem>>)
    %dma_start3A_96 = arith.constant 0 : i32
    %dma_start3A_97 = tpu.memref_slice %arg14[%add3A_51, %dma_start3A_96] : memref<10000x128xf32, #tpu.memory_space<vmem_shared>> -> memref<48x128xf32, #tpu.memory_space<vmem_shared>>
    %dma_start3A_98 = arith.constant 0 : i32
    %dma_start3A_99 = tpu.memref_slice %arg14[%add3A_51, %dma_start3A_98] : memref<10000x128xf32, #tpu.memory_space<vmem_shared>> -> memref<48x128xf32, #tpu.memory_space<vmem_shared>>
    tpu.enqueue_dma source(%arg11 : memref<48x128xf32, #tpu.memory_space<vmem>>) target(%dma_start3A_99 : memref<48x128xf32, #tpu.memory_space<vmem_shared>>) target_semaphore(%arg19 : memref<!tpu.dma_semaphore, #tpu.memory_space<semaphore_mem>>)
    %dma_start3A_100 = arith.constant 0 : i32
    %dma_start3A_101 = tpu.memref_slice %arg14[%add3A_53, %dma_start3A_100] : memref<10000x128xf32, #tpu.memory_space<vmem_shared>> -> memref<48x128xf32, #tpu.memory_space<vmem_shared>>
    %dma_start3A_102 = arith.constant 0 : i32
    %dma_start3A_103 = tpu.memref_slice %arg14[%add3A_53, %dma_start3A_102] : memref<10000x128xf32, #tpu.memory_space<vmem_shared>> -> memref<48x128xf32, #tpu.memory_space<vmem_shared>>
    tpu.enqueue_dma source(%arg11 : memref<48x128xf32, #tpu.memory_space<vmem>>) target(%dma_start3A_103 : memref<48x128xf32, #tpu.memory_space<vmem_shared>>) target_semaphore(%arg19 : memref<!tpu.dma_semaphore, #tpu.memory_space<semaphore_mem>>)
    %dma_start3A_104 = arith.constant 0 : i32
    %dma_start3A_105 = tpu.memref_slice %arg14[%add3A_55, %dma_start3A_104] : memref<10000x128xf32, #tpu.memory_space<vmem_shared>> -> memref<48x128xf32, #tpu.memory_space<vmem_shared>>
    %dma_start3A_106 = arith.constant 0 : i32
    %dma_start3A_107 = tpu.memref_slice %arg14[%add3A_55, %dma_start3A_106] : memref<10000x128xf32, #tpu.memory_space<vmem_shared>> -> memref<48x128xf32, #tpu.memory_space<vmem_shared>>
    tpu.enqueue_dma source(%arg11 : memref<48x128xf32, #tpu.memory_space<vmem>>) target(%dma_start3A_107 : memref<48x128xf32, #tpu.memory_space<vmem_shared>>) target_semaphore(%arg19 : memref<!tpu.dma_semaphore, #tpu.memory_space<semaphore_mem>>)
    %dma_start3A_108 = tpu.memref_slice %arg15[%mul3A_0] : memref<10000xf32, #tpu.memory_space<vmem_shared>> -> memref<624xf32, #tpu.memory_space<vmem_shared>>
    %dma_start3A_109 = tpu.memref_slice %arg15[%mul3A_0] : memref<10000xf32, #tpu.memory_space<vmem_shared>> -> memref<624xf32, #tpu.memory_space<vmem_shared>>
    tpu.enqueue_dma source(%arg13 : memref<624xf32, #tpu.memory_space<vmem>>) target(%dma_start3A_109 : memref<624xf32, #tpu.memory_space<vmem_shared>>) target_semaphore(%arg19 : memref<!tpu.dma_semaphore, #tpu.memory_space<semaphore_mem>>)
    %dma_wait3A = arith.constant 0 : i32
    %dma_wait3A_110 = tpu.memref_slice %arg14[%add3A_31, %dma_wait3A] : memref<10000x128xf32, #tpu.memory_space<vmem_shared>> -> memref<48x128xf32, #tpu.memory_space<vmem_shared>>
    %dma_wait3A_111 = arith.constant 0 : i32
    %dma_wait3A_112 = tpu.memref_slice %arg14[%add3A_31, %dma_wait3A_111] : memref<10000x128xf32, #tpu.memory_space<vmem_shared>> -> memref<48x128xf32, #tpu.memory_space<vmem_shared>>
    tpu.wait_dma2 semaphore(%arg19 : memref<!tpu.dma_semaphore, #tpu.memory_space<semaphore_mem>>) src(%arg11 : memref<48x128xf32, #tpu.memory_space<vmem>>) dst(%dma_wait3A_112 : memref<48x128xf32, #tpu.memory_space<vmem_shared>>)
    %dma_wait3A_113 = arith.constant 0 : i32
    %dma_wait3A_114 = tpu.memref_slice %arg14[%add3A_33, %dma_wait3A_113] : memref<10000x128xf32, #tpu.memory_space<vmem_shared>> -> memref<48x128xf32, #tpu.memory_space<vmem_shared>>
    %dma_wait3A_115 = arith.constant 0 : i32
    %dma_wait3A_116 = tpu.memref_slice %arg14[%add3A_33, %dma_wait3A_115] : memref<10000x128xf32, #tpu.memory_space<vmem_shared>> -> memref<48x128xf32, #tpu.memory_space<vmem_shared>>
    tpu.wait_dma2 semaphore(%arg19 : memref<!tpu.dma_semaphore, #tpu.memory_space<semaphore_mem>>) src(%arg11 : memref<48x128xf32, #tpu.memory_space<vmem>>) dst(%dma_wait3A_116 : memref<48x128xf32, #tpu.memory_space<vmem_shared>>)
    %dma_wait3A_117 = arith.constant 0 : i32
    %dma_wait3A_118 = tpu.memref_slice %arg14[%add3A_35, %dma_wait3A_117] : memref<10000x128xf32, #tpu.memory_space<vmem_shared>> -> memref<48x128xf32, #tpu.memory_space<vmem_shared>>
    %dma_wait3A_119 = arith.constant 0 : i32
    %dma_wait3A_120 = tpu.memref_slice %arg14[%add3A_35, %dma_wait3A_119] : memref<10000x128xf32, #tpu.memory_space<vmem_shared>> -> memref<48x128xf32, #tpu.memory_space<vmem_shared>>
    tpu.wait_dma2 semaphore(%arg19 : memref<!tpu.dma_semaphore, #tpu.memory_space<semaphore_mem>>) src(%arg11 : memref<48x128xf32, #tpu.memory_space<vmem>>) dst(%dma_wait3A_120 : memref<48x128xf32, #tpu.memory_space<vmem_shared>>)
    %dma_wait3A_121 = arith.constant 0 : i32
    %dma_wait3A_122 = tpu.memref_slice %arg14[%add3A_37, %dma_wait3A_121] : memref<10000x128xf32, #tpu.memory_space<vmem_shared>> -> memref<48x128xf32, #tpu.memory_space<vmem_shared>>
    %dma_wait3A_123 = arith.constant 0 : i32
    %dma_wait3A_124 = tpu.memref_slice %arg14[%add3A_37, %dma_wait3A_123] : memref<10000x128xf32, #tpu.memory_space<vmem_shared>> -> memref<48x128xf32, #tpu.memory_space<vmem_shared>>
    tpu.wait_dma2 semaphore(%arg19 : memref<!tpu.dma_semaphore, #tpu.memory_space<semaphore_mem>>) src(%arg11 : memref<48x128xf32, #tpu.memory_space<vmem>>) dst(%dma_wait3A_124 : memref<48x128xf32, #tpu.memory_space<vmem_shared>>)
    %dma_wait3A_125 = arith.constant 0 : i32
    %dma_wait3A_126 = tpu.memref_slice %arg14[%add3A_39, %dma_wait3A_125] : memref<10000x128xf32, #tpu.memory_space<vmem_shared>> -> memref<48x128xf32, #tpu.memory_space<vmem_shared>>
    %dma_wait3A_127 = arith.constant 0 : i32
    %dma_wait3A_128 = tpu.memref_slice %arg14[%add3A_39, %dma_wait3A_127] : memref<10000x128xf32, #tpu.memory_space<vmem_shared>> -> memref<48x128xf32, #tpu.memory_space<vmem_shared>>
    tpu.wait_dma2 semaphore(%arg19 : memref<!tpu.dma_semaphore, #tpu.memory_space<semaphore_mem>>) src(%arg11 : memref<48x128xf32, #tpu.memory_space<vmem>>) dst(%dma_wait3A_128 : memref<48x128xf32, #tpu.memory_space<vmem_shared>>)
    %dma_wait3A_129 = arith.constant 0 : i32
    %dma_wait3A_130 = tpu.memref_slice %arg14[%add3A_41, %dma_wait3A_129] : memref<10000x128xf32, #tpu.memory_space<vmem_shared>> -> memref<48x128xf32, #tpu.memory_space<vmem_shared>>
    %dma_wait3A_131 = arith.constant 0 : i32
    %dma_wait3A_132 = tpu.memref_slice %arg14[%add3A_41, %dma_wait3A_131] : memref<10000x128xf32, #tpu.memory_space<vmem_shared>> -> memref<48x128xf32, #tpu.memory_space<vmem_shared>>
    tpu.wait_dma2 semaphore(%arg19 : memref<!tpu.dma_semaphore, #tpu.memory_space<semaphore_mem>>) src(%arg11 : memref<48x128xf32, #tpu.memory_space<vmem>>) dst(%dma_wait3A_132 : memref<48x128xf32, #tpu.memory_space<vmem_shared>>)
    %dma_wait3A_133 = arith.constant 0 : i32
    %dma_wait3A_134 = tpu.memref_slice %arg14[%add3A_43, %dma_wait3A_133] : memref<10000x128xf32, #tpu.memory_space<vmem_shared>> -> memref<48x128xf32, #tpu.memory_space<vmem_shared>>
    %dma_wait3A_135 = arith.constant 0 : i32
    %dma_wait3A_136 = tpu.memref_slice %arg14[%add3A_43, %dma_wait3A_135] : memref<10000x128xf32, #tpu.memory_space<vmem_shared>> -> memref<48x128xf32, #tpu.memory_space<vmem_shared>>
    tpu.wait_dma2 semaphore(%arg19 : memref<!tpu.dma_semaphore, #tpu.memory_space<semaphore_mem>>) src(%arg11 : memref<48x128xf32, #tpu.memory_space<vmem>>) dst(%dma_wait3A_136 : memref<48x128xf32, #tpu.memory_space<vmem_shared>>)
    %dma_wait3A_137 = arith.constant 0 : i32
    %dma_wait3A_138 = tpu.memref_slice %arg14[%add3A_45, %dma_wait3A_137] : memref<10000x128xf32, #tpu.memory_space<vmem_shared>> -> memref<48x128xf32, #tpu.memory_space<vmem_shared>>
    %dma_wait3A_139 = arith.constant 0 : i32
    %dma_wait3A_140 = tpu.memref_slice %arg14[%add3A_45, %dma_wait3A_139] : memref<10000x128xf32, #tpu.memory_space<vmem_shared>> -> memref<48x128xf32, #tpu.memory_space<vmem_shared>>
    tpu.wait_dma2 semaphore(%arg19 : memref<!tpu.dma_semaphore, #tpu.memory_space<semaphore_mem>>) src(%arg11 : memref<48x128xf32, #tpu.memory_space<vmem>>) dst(%dma_wait3A_140 : memref<48x128xf32, #tpu.memory_space<vmem_shared>>)
    %dma_wait3A_141 = arith.constant 0 : i32
    %dma_wait3A_142 = tpu.memref_slice %arg14[%add3A_47, %dma_wait3A_141] : memref<10000x128xf32, #tpu.memory_space<vmem_shared>> -> memref<48x128xf32, #tpu.memory_space<vmem_shared>>
    %dma_wait3A_143 = arith.constant 0 : i32
    %dma_wait3A_144 = tpu.memref_slice %arg14[%add3A_47, %dma_wait3A_143] : memref<10000x128xf32, #tpu.memory_space<vmem_shared>> -> memref<48x128xf32, #tpu.memory_space<vmem_shared>>
    tpu.wait_dma2 semaphore(%arg19 : memref<!tpu.dma_semaphore, #tpu.memory_space<semaphore_mem>>) src(%arg11 : memref<48x128xf32, #tpu.memory_space<vmem>>) dst(%dma_wait3A_144 : memref<48x128xf32, #tpu.memory_space<vmem_shared>>)
    %dma_wait3A_145 = arith.constant 0 : i32
    %dma_wait3A_146 = tpu.memref_slice %arg14[%add3A_49, %dma_wait3A_145] : memref<10000x128xf32, #tpu.memory_space<vmem_shared>> -> memref<48x128xf32, #tpu.memory_space<vmem_shared>>
    %dma_wait3A_147 = arith.constant 0 : i32
    %dma_wait3A_148 = tpu.memref_slice %arg14[%add3A_49, %dma_wait3A_147] : memref<10000x128xf32, #tpu.memory_space<vmem_shared>> -> memref<48x128xf32, #tpu.memory_space<vmem_shared>>
    tpu.wait_dma2 semaphore(%arg19 : memref<!tpu.dma_semaphore, #tpu.memory_space<semaphore_mem>>) src(%arg11 : memref<48x128xf32, #tpu.memory_space<vmem>>) dst(%dma_wait3A_148 : memref<48x128xf32, #tpu.memory_space<vmem_shared>>)
    %dma_wait3A_149 = arith.constant 0 : i32
    %dma_wait3A_150 = tpu.memref_slice %arg14[%add3A_51, %dma_wait3A_149] : memref<10000x128xf32, #tpu.memory_space<vmem_shared>> -> memref<48x128xf32, #tpu.memory_space<vmem_shared>>
    %dma_wait3A_151 = arith.constant 0 : i32
    %dma_wait3A_152 = tpu.memref_slice %arg14[%add3A_51, %dma_wait3A_151] : memref<10000x128xf32, #tpu.memory_space<vmem_shared>> -> memref<48x128xf32, #tpu.memory_space<vmem_shared>>
    tpu.wait_dma2 semaphore(%arg19 : memref<!tpu.dma_semaphore, #tpu.memory_space<semaphore_mem>>) src(%arg11 : memref<48x128xf32, #tpu.memory_space<vmem>>) dst(%dma_wait3A_152 : memref<48x128xf32, #tpu.memory_space<vmem_shared>>)
    %dma_wait3A_153 = arith.constant 0 : i32
    %dma_wait3A_154 = tpu.memref_slice %arg14[%add3A_53, %dma_wait3A_153] : memref<10000x128xf32, #tpu.memory_space<vmem_shared>> -> memref<48x128xf32, #tpu.memory_space<vmem_shared>>
    %dma_wait3A_155 = arith.constant 0 : i32
    %dma_wait3A_156 = tpu.memref_slice %arg14[%add3A_53, %dma_wait3A_155] : memref<10000x128xf32, #tpu.memory_space<vmem_shared>> -> memref<48x128xf32, #tpu.memory_space<vmem_shared>>
    tpu.wait_dma2 semaphore(%arg19 : memref<!tpu.dma_semaphore, #tpu.memory_space<semaphore_mem>>) src(%arg11 : memref<48x128xf32, #tpu.memory_space<vmem>>) dst(%dma_wait3A_156 : memref<48x128xf32, #tpu.memory_space<vmem_shared>>)
    %dma_wait3A_157 = arith.constant 0 : i32
    %dma_wait3A_158 = tpu.memref_slice %arg14[%add3A_55, %dma_wait3A_157] : memref<10000x128xf32, #tpu.memory_space<vmem_shared>> -> memref<48x128xf32, #tpu.memory_space<vmem_shared>>
    %dma_wait3A_159 = arith.constant 0 : i32
    %dma_wait3A_160 = tpu.memref_slice %arg14[%add3A_55, %dma_wait3A_159] : memref<10000x128xf32, #tpu.memory_space<vmem_shared>> -> memref<48x128xf32, #tpu.memory_space<vmem_shared>>
    tpu.wait_dma2 semaphore(%arg19 : memref<!tpu.dma_semaphore, #tpu.memory_space<semaphore_mem>>) src(%arg11 : memref<48x128xf32, #tpu.memory_space<vmem>>) dst(%dma_wait3A_160 : memref<48x128xf32, #tpu.memory_space<vmem_shared>>)
    %dma_wait3A_161 = tpu.memref_slice %arg15[%mul3A_0] : memref<10000xf32, #tpu.memory_space<vmem_shared>> -> memref<624xf32, #tpu.memory_space<vmem_shared>>
    %dma_wait3A_162 = tpu.memref_slice %arg15[%mul3A_0] : memref<10000xf32, #tpu.memory_space<vmem_shared>> -> memref<624xf32, #tpu.memory_space<vmem_shared>>
    tpu.wait_dma2 semaphore(%arg19 : memref<!tpu.dma_semaphore, #tpu.memory_space<semaphore_mem>>) src(%arg13 : memref<624xf32, #tpu.memory_space<vmem>>) dst(%dma_wait3A_162 : memref<624xf32, #tpu.memory_space<vmem_shared>>)
    %eq3A = arith.constant 15 : i32
    %eq3A_163 = arith.cmpi eq, %arg1, %eq3A : i32
    %convert_element_type3A = arith.extui %eq3A_163 : i1 to i32
    %cond3A = arith.constant 0 : i32
    %cond3A_164 = arith.cmpi ne, %convert_element_type3A, %cond3A : i32
    scf.if %cond3A_164 {
      "tpu.region"() ({
        %run_scoped3A = tpu.sem_alloc : memref<!tpu.dma_semaphore, #tpu.memory_space<semaphore_mem>>
        %dma_start3A_207 = arith.constant 0 : i32
        %dma_start3A_208 = arith.constant 0 : i32
        %dma_start3A_209 = tpu.memref_slice %arg11[%dma_start3A_207, %dma_start3A_208] : memref<48x128xf32, #tpu.memory_space<vmem>> -> memref<16x128xf32, #tpu.memory_space<vmem>>
        %dma_start3A_210 = arith.constant 9984 : i32
        %dma_start3A_211 = arith.constant 0 : i32
        %dma_start3A_212 = tpu.memref_slice %arg14[%dma_start3A_210, %dma_start3A_211] : memref<10000x128xf32, #tpu.memory_space<vmem_shared>> -> memref<16x128xf32, #tpu.memory_space<vmem_shared>>
        %dma_start3A_213 = arith.constant 9984 : i32
        %dma_start3A_214 = arith.constant 0 : i32
        %dma_start3A_215 = tpu.memref_slice %arg14[%dma_start3A_213, %dma_start3A_214] : memref<10000x128xf32, #tpu.memory_space<vmem_shared>> -> memref<16x128xf32, #tpu.memory_space<vmem_shared>>
        %dma_start3A_216 = arith.constant 0 : i32
        %dma_start3A_217 = arith.constant 0 : i32
        %dma_start3A_218 = tpu.memref_slice %arg11[%dma_start3A_216, %dma_start3A_217] : memref<48x128xf32, #tpu.memory_space<vmem>> -> memref<16x128xf32, #tpu.memory_space<vmem>>
        tpu.enqueue_dma source(%dma_start3A_218 : memref<16x128xf32, #tpu.memory_space<vmem>>) target(%dma_start3A_215 : memref<16x128xf32, #tpu.memory_space<vmem_shared>>) target_semaphore(%run_scoped3A : memref<!tpu.dma_semaphore, #tpu.memory_space<semaphore_mem>>)
        %dma_wait3A_219 = arith.constant 0 : i32
        %dma_wait3A_220 = arith.constant 0 : i32
        %dma_wait3A_221 = tpu.memref_slice %arg11[%dma_wait3A_219, %dma_wait3A_220] : memref<48x128xf32, #tpu.memory_space<vmem>> -> memref<16x128xf32, #tpu.memory_space<vmem>>
        %dma_wait3A_222 = arith.constant 9984 : i32
        %dma_wait3A_223 = arith.constant 0 : i32
        %dma_wait3A_224 = tpu.memref_slice %arg14[%dma_wait3A_222, %dma_wait3A_223] : memref<10000x128xf32, #tpu.memory_space<vmem_shared>> -> memref<16x128xf32, #tpu.memory_space<vmem_shared>>
        %dma_wait3A_225 = arith.constant 9984 : i32
        %dma_wait3A_226 = arith.constant 0 : i32
        %dma_wait3A_227 = tpu.memref_slice %arg14[%dma_wait3A_225, %dma_wait3A_226] : memref<10000x128xf32, #tpu.memory_space<vmem_shared>> -> memref<16x128xf32, #tpu.memory_space<vmem_shared>>
        %dma_wait3A_228 = arith.constant 0 : i32
        %dma_wait3A_229 = arith.constant 0 : i32
        %dma_wait3A_230 = tpu.memref_slice %arg11[%dma_wait3A_228, %dma_wait3A_229] : memref<48x128xf32, #tpu.memory_space<vmem>> -> memref<16x128xf32, #tpu.memory_space<vmem>>
        tpu.wait_dma2 semaphore(%run_scoped3A : memref<!tpu.dma_semaphore, #tpu.memory_space<semaphore_mem>>) src(%dma_wait3A_230 : memref<16x128xf32, #tpu.memory_space<vmem>>) dst(%dma_wait3A_227 : memref<16x128xf32, #tpu.memory_space<vmem_shared>>)
        tpu.yield
      }) : () -> ()
      "tpu.region"() ({
        %run_scoped3A = tpu.sem_alloc : memref<!tpu.dma_semaphore, #tpu.memory_space<semaphore_mem>>
        %dma_start3A_207 = arith.constant 0 : i32
        %dma_start3A_208 = tpu.memref_slice %arg13[%dma_start3A_207] : memref<624xf32, #tpu.memory_space<vmem>> -> memref<16xf32, #tpu.memory_space<vmem>>
        %dma_start3A_209 = arith.constant 9984 : i32
        %dma_start3A_210 = tpu.memref_slice %arg15[%dma_start3A_209] : memref<10000xf32, #tpu.memory_space<vmem_shared>> -> memref<16xf32, #tpu.memory_space<vmem_shared>>
        %dma_start3A_211 = arith.constant 9984 : i32
        %dma_start3A_212 = tpu.memref_slice %arg15[%dma_start3A_211] : memref<10000xf32, #tpu.memory_space<vmem_shared>> -> memref<16xf32, #tpu.memory_space<vmem_shared>>
        %dma_start3A_213 = arith.constant 0 : i32
        %dma_start3A_214 = tpu.memref_slice %arg13[%dma_start3A_213] : memref<624xf32, #tpu.memory_space<vmem>> -> memref<16xf32, #tpu.memory_space<vmem>>
        tpu.enqueue_dma source(%dma_start3A_214 : memref<16xf32, #tpu.memory_space<vmem>>) target(%dma_start3A_212 : memref<16xf32, #tpu.memory_space<vmem_shared>>) target_semaphore(%run_scoped3A : memref<!tpu.dma_semaphore, #tpu.memory_space<semaphore_mem>>)
        %dma_wait3A_215 = arith.constant 0 : i32
        %dma_wait3A_216 = tpu.memref_slice %arg13[%dma_wait3A_215] : memref<624xf32, #tpu.memory_space<vmem>> -> memref<16xf32, #tpu.memory_space<vmem>>
        %dma_wait3A_217 = arith.constant 9984 : i32
        %dma_wait3A_218 = tpu.memref_slice %arg15[%dma_wait3A_217] : memref<10000xf32, #tpu.memory_space<vmem_shared>> -> memref<16xf32, #tpu.memory_space<vmem_shared>>
        %dma_wait3A_219 = arith.constant 9984 : i32
        %dma_wait3A_220 = tpu.memref_slice %arg15[%dma_wait3A_219] : memref<10000xf32, #tpu.memory_space<vmem_shared>> -> memref<16xf32, #tpu.memory_space<vmem_shared>>
        %dma_wait3A_221 = arith.constant 0 : i32
        %dma_wait3A_222 = tpu.memref_slice %arg13[%dma_wait3A_221] : memref<624xf32, #tpu.memory_space<vmem>> -> memref<16xf32, #tpu.memory_space<vmem>>
        tpu.wait_dma2 semaphore(%run_scoped3A : memref<!tpu.dma_semaphore, #tpu.memory_space<semaphore_mem>>) src(%dma_wait3A_222 : memref<16xf32, #tpu.memory_space<vmem>>) dst(%dma_wait3A_220 : memref<16xf32, #tpu.memory_space<vmem_shared>>)
        tpu.yield
      }) : () -> ()
    } else {
    }
    %barrier3A = arith.constant 0 : index
    tpu.barrier barrier_id(%barrier3A)
    %scan3A = arith.constant 0 : i32
    %scan3A_165 = arith.constant 0 : i32
    %scan3A_166 = arith.constant 125 : i32
    %scan3A_167 = arith.addi %scan3A_165, %scan3A_166 : i32
    %scan3A_168 = arith.constant 1 : i32
    scf.for %scan3A_207 = %scan3A_165 to %scan3A_167 step %scan3A_168  : i32 {
      %mul3A_208 = arith.constant 2 : i32
      %mul3A_209 = arith.muli %mul3A_208, %scan3A_207 : i32
      %add3A_210 = arith.constant 1 : i32
      %add3A_211 = arith.addi %mul3A_209, %add3A_210 : i32
      %mul3A_212 = arith.constant 20000 : i32
      %mul3A_213 = arith.muli %arg1, %mul3A_212 : i32
      %mul3A_214 = arith.constant 80 : i32
      %mul3A_215 = arith.muli %add3A_211, %mul3A_214 : i32
      %add3A_216 = arith.addi %mul3A_213, %mul3A_215 : i32
      %dma_start3A_217 = arith.constant 1 : i32
      %dma_start3A_218 = arith.constant 0 : i32
      %dma_start3A_219 = tpu.memref_slice %arg9[%dma_start3A_217, %dma_start3A_218] : memref<2x80xi32, #tpu.memory_space<vmem>> -> memref<1x80xi32, #tpu.memory_space<vmem>>
      %dma_start3A_220 = tpu.memref_squeeze %dma_start3A_219 : memref<1x80xi32, #tpu.memory_space<vmem>> -> memref<80xi32, #tpu.memory_space<vmem>>
      %dma_start3A_221 = tpu.memref_slice %arg3[%add3A_216] : memref<320000xi32, #tpu.memory_space<hbm>> -> memref<80xi32, #tpu.memory_space<hbm>>
      %dma_start3A_222 = arith.constant 0 : i32
      %dma_start3A_223 = tpu.memref_slice %arg9[%dma_start3A_217, %dma_start3A_222] : memref<2x80xi32, #tpu.memory_space<vmem>> -> memref<1x80xi32, #tpu.memory_space<vmem>>
      %dma_start3A_224 = tpu.memref_squeeze %dma_start3A_223 : memref<1x80xi32, #tpu.memory_space<vmem>> -> memref<80xi32, #tpu.memory_space<vmem>>
      %dma_start3A_225 = tpu.memref_slice %arg3[%add3A_216] : memref<320000xi32, #tpu.memory_space<hbm>> -> memref<80xi32, #tpu.memory_space<hbm>>
      tpu.enqueue_dma source(%dma_start3A_225 : memref<80xi32, #tpu.memory_space<hbm>>) target(%dma_start3A_224 : memref<80xi32, #tpu.memory_space<vmem>>) target_semaphore(%arg17 : memref<!tpu.dma_semaphore, #tpu.memory_space<semaphore_mem>>)
      %add3A_226 = arith.constant 1 : i32
      %add3A_227 = arith.addi %mul3A_209, %add3A_226 : i32
      %dma_start3A_228 = arith.constant 1 : i32
      %dma_start3A_229 = arith.constant 0 : i32
      %dma_start3A_230 = arith.constant 0 : i32
      %dma_start3A_231 = tpu.memref_slice %arg10[%dma_start3A_228, %dma_start3A_229, %dma_start3A_230] : memref<2x80x128xf32, #tpu.memory_space<vmem>> -> memref<1x80x128xf32, #tpu.memory_space<vmem>>
      %dma_start3A_232 = tpu.memref_squeeze %dma_start3A_231 : memref<1x80x128xf32, #tpu.memory_space<vmem>> -> memref<80x128xf32, #tpu.memory_space<vmem>>
      %dma_start3A_233 = arith.constant 0 : i32
      %dma_start3A_234 = arith.constant 0 : i32
      %dma_start3A_235 = tpu.memref_slice %arg2[%arg1, %add3A_227, %dma_start3A_233, %dma_start3A_234] : memref<16x250x80x128xf32, #tpu.memory_space<hbm>> -> memref<1x1x80x128xf32, #tpu.memory_space<hbm>>
      %dma_start3A_236 = tpu.memref_squeeze %dma_start3A_235 : memref<1x1x80x128xf32, #tpu.memory_space<hbm>> -> memref<80x128xf32, #tpu.memory_space<hbm>>
      %dma_start3A_237 = arith.constant 0 : i32
      %dma_start3A_238 = arith.constant 0 : i32
      %dma_start3A_239 = tpu.memref_slice %arg10[%dma_start3A_228, %dma_start3A_237, %dma_start3A_238] : memref<2x80x128xf32, #tpu.memory_space<vmem>> -> memref<1x80x128xf32, #tpu.memory_space<vmem>>
      %dma_start3A_240 = tpu.memref_squeeze %dma_start3A_239 : memref<1x80x128xf32, #tpu.memory_space<vmem>> -> memref<80x128xf32, #tpu.memory_space<vmem>>
      %dma_start3A_241 = arith.constant 0 : i32
      %dma_start3A_242 = arith.constant 0 : i32
      %dma_start3A_243 = tpu.memref_slice %arg2[%arg1, %add3A_227, %dma_start3A_241, %dma_start3A_242] : memref<16x250x80x128xf32, #tpu.memory_space<hbm>> -> memref<1x1x80x128xf32, #tpu.memory_space<hbm>>
      %dma_start3A_244 = tpu.memref_squeeze %dma_start3A_243 : memref<1x1x80x128xf32, #tpu.memory_space<hbm>> -> memref<80x128xf32, #tpu.memory_space<hbm>>
      tpu.enqueue_dma source(%dma_start3A_244 : memref<80x128xf32, #tpu.memory_space<hbm>>) target(%dma_start3A_240 : memref<80x128xf32, #tpu.memory_space<vmem>>) target_semaphore(%arg17 : memref<!tpu.dma_semaphore, #tpu.memory_space<semaphore_mem>>)
      %mul3A_245 = arith.constant 20000 : i32
      %mul3A_246 = arith.muli %arg1, %mul3A_245 : i32
      %mul3A_247 = arith.constant 80 : i32
      %mul3A_248 = arith.muli %mul3A_209, %mul3A_247 : i32
      %add3A_249 = arith.addi %mul3A_246, %mul3A_248 : i32
      %dma_wait3A_250 = arith.constant 0 : i32
      %dma_wait3A_251 = arith.constant 0 : i32
      %dma_wait3A_252 = tpu.memref_slice %arg9[%dma_wait3A_250, %dma_wait3A_251] : memref<2x80xi32, #tpu.memory_space<vmem>> -> memref<1x80xi32, #tpu.memory_space<vmem>>
      %dma_wait3A_253 = tpu.memref_squeeze %dma_wait3A_252 : memref<1x80xi32, #tpu.memory_space<vmem>> -> memref<80xi32, #tpu.memory_space<vmem>>
      %dma_wait3A_254 = tpu.memref_slice %arg3[%add3A_249] : memref<320000xi32, #tpu.memory_space<hbm>> -> memref<80xi32, #tpu.memory_space<hbm>>
      %dma_wait3A_255 = arith.constant 0 : i32
      %dma_wait3A_256 = tpu.memref_slice %arg9[%dma_wait3A_250, %dma_wait3A_255] : memref<2x80xi32, #tpu.memory_space<vmem>> -> memref<1x80xi32, #tpu.memory_space<vmem>>
      %dma_wait3A_257 = tpu.memref_squeeze %dma_wait3A_256 : memref<1x80xi32, #tpu.memory_space<vmem>> -> memref<80xi32, #tpu.memory_space<vmem>>
      %dma_wait3A_258 = tpu.memref_slice %arg3[%add3A_249] : memref<320000xi32, #tpu.memory_space<hbm>> -> memref<80xi32, #tpu.memory_space<hbm>>
      tpu.wait_dma2 semaphore(%arg16 : memref<!tpu.dma_semaphore, #tpu.memory_space<semaphore_mem>>) src(%dma_wait3A_258 : memref<80xi32, #tpu.memory_space<hbm>>) dst(%dma_wait3A_257 : memref<80xi32, #tpu.memory_space<vmem>>)
      %dma_start3A_259 = arith.constant 0 : i32
      %dma_start3A_260 = arith.constant 0 : i32
      %dma_start3A_261 = tpu.memref_slice %arg9[%dma_start3A_259, %dma_start3A_260] : memref<2x80xi32, #tpu.memory_space<vmem>> -> memref<1x80xi32, #tpu.memory_space<vmem>>
      %dma_start3A_262 = tpu.memref_squeeze %dma_start3A_261 : memref<1x80xi32, #tpu.memory_space<vmem>> -> memref<80xi32, #tpu.memory_space<vmem>>
      %dma_start3A_263 = arith.constant 0 : i32
      %dma_start3A_264 = tpu.memref_slice %arg15[%dma_start3A_263] : memref<10000xf32, #tpu.memory_space<vmem_shared>> -> memref<10000xf32, #tpu.memory_space<vmem_shared>>
      tpu.enqueue_indirect_dma source(%arg12 : memref<80xf32, #tpu.memory_space<vmem>>) target(%dma_start3A_264 : memref<10000xf32, #tpu.memory_space<vmem_shared>>) offsets(%dma_start3A_262 : memref<80xi32, #tpu.memory_space<vmem>>) semaphore(%arg18 : memref<!tpu.dma_semaphore, #tpu.memory_space<semaphore_mem>>) {add = true}
      %dma_wait3A_265 = arith.constant 0 : i32
      %dma_wait3A_266 = arith.constant 0 : i32
      %dma_wait3A_267 = arith.constant 0 : i32
      %dma_wait3A_268 = tpu.memref_slice %arg10[%dma_wait3A_265, %dma_wait3A_266, %dma_wait3A_267] : memref<2x80x128xf32, #tpu.memory_space<vmem>> -> memref<1x80x128xf32, #tpu.memory_space<vmem>>
      %dma_wait3A_269 = tpu.memref_squeeze %dma_wait3A_268 : memref<1x80x128xf32, #tpu.memory_space<vmem>> -> memref<80x128xf32, #tpu.memory_space<vmem>>
      %dma_wait3A_270 = arith.constant 0 : i32
      %dma_wait3A_271 = arith.constant 0 : i32
      %dma_wait3A_272 = tpu.memref_slice %arg2[%arg1, %mul3A_209, %dma_wait3A_270, %dma_wait3A_271] : memref<16x250x80x128xf32, #tpu.memory_space<hbm>> -> memref<1x1x80x128xf32, #tpu.memory_space<hbm>>
      %dma_wait3A_273 = tpu.memref_squeeze %dma_wait3A_272 : memref<1x1x80x128xf32, #tpu.memory_space<hbm>> -> memref<80x128xf32, #tpu.memory_space<hbm>>
      %dma_wait3A_274 = arith.constant 0 : i32
      %dma_wait3A_275 = arith.constant 0 : i32
      %dma_wait3A_276 = tpu.memref_slice %arg10[%dma_wait3A_265, %dma_wait3A_274, %dma_wait3A_275] : memref<2x80x128xf32, #tpu.memory_space<vmem>> -> memref<1x80x128xf32, #tpu.memory_space<vmem>>
      %dma_wait3A_277 = tpu.memref_squeeze %dma_wait3A_276 : memref<1x80x128xf32, #tpu.memory_space<vmem>> -> memref<80x128xf32, #tpu.memory_space<vmem>>
      %dma_wait3A_278 = arith.constant 0 : i32
      %dma_wait3A_279 = arith.constant 0 : i32
      %dma_wait3A_280 = tpu.memref_slice %arg2[%arg1, %mul3A_209, %dma_wait3A_278, %dma_wait3A_279] : memref<16x250x80x128xf32, #tpu.memory_space<hbm>> -> memref<1x1x80x128xf32, #tpu.memory_space<hbm>>
      %dma_wait3A_281 = tpu.memref_squeeze %dma_wait3A_280 : memref<1x1x80x128xf32, #tpu.memory_space<hbm>> -> memref<80x128xf32, #tpu.memory_space<hbm>>
      tpu.wait_dma2 semaphore(%arg16 : memref<!tpu.dma_semaphore, #tpu.memory_space<semaphore_mem>>) src(%dma_wait3A_281 : memref<80x128xf32, #tpu.memory_space<hbm>>) dst(%dma_wait3A_277 : memref<80x128xf32, #tpu.memory_space<vmem>>)
      %run_scoped3A = arith.constant 0 : i32
      %run_scoped3A_282 = arith.constant 0 : i32
      "tpu.region"() ({
        %run_scoped3A_344 = tpu.sem_alloc : memref<!tpu.dma_semaphore, #tpu.memory_space<semaphore_mem>>
        %dma_start3A_345 = arith.constant 0 : i32
        %dma_start3A_346 = arith.constant 0 : i32
        %dma_start3A_347 = tpu.memref_slice %arg10[%run_scoped3A, %dma_start3A_345, %dma_start3A_346] : memref<2x80x128xf32, #tpu.memory_space<vmem>> -> memref<1x80x128xf32, #tpu.memory_space<vmem>>
        %dma_start3A_348 = tpu.memref_squeeze %dma_start3A_347 : memref<1x80x128xf32, #tpu.memory_space<vmem>> -> memref<80x128xf32, #tpu.memory_space<vmem>>
        %dma_start3A_349 = arith.constant 0 : i32
        %dma_start3A_350 = tpu.memref_slice %arg9[%run_scoped3A_282, %dma_start3A_349] : memref<2x80xi32, #tpu.memory_space<vmem>> -> memref<1x80xi32, #tpu.memory_space<vmem>>
        %dma_start3A_351 = tpu.memref_squeeze %dma_start3A_350 : memref<1x80xi32, #tpu.memory_space<vmem>> -> memref<80xi32, #tpu.memory_space<vmem>>
        %dma_start3A_352 = arith.constant 0 : i32
        %dma_start3A_353 = arith.constant 0 : i32
        %dma_start3A_354 = tpu.memref_slice %arg14[%dma_start3A_352, %dma_start3A_353] : memref<10000x128xf32, #tpu.memory_space<vmem_shared>> -> memref<10000x128xf32, #tpu.memory_space<vmem_shared>>
        tpu.enqueue_indirect_dma source(%dma_start3A_348 : memref<80x128xf32, #tpu.memory_space<vmem>>) target(%dma_start3A_354 : memref<10000x128xf32, #tpu.memory_space<vmem_shared>>) offsets(%dma_start3A_351 : memref<80xi32, #tpu.memory_space<vmem>>) semaphore(%run_scoped3A_344 : memref<!tpu.dma_semaphore, #tpu.memory_space<semaphore_mem>>) {add = true}
        %dma_wait3A_355 = arith.constant 0 : i32
        %dma_wait3A_356 = arith.constant 0 : i32
        %dma_wait3A_357 = tpu.memref_slice %arg10[%run_scoped3A, %dma_wait3A_355, %dma_wait3A_356] : memref<2x80x128xf32, #tpu.memory_space<vmem>> -> memref<1x80x128xf32, #tpu.memory_space<vmem>>
        %dma_wait3A_358 = tpu.memref_squeeze %dma_wait3A_357 : memref<1x80x128xf32, #tpu.memory_space<vmem>> -> memref<80x128xf32, #tpu.memory_space<vmem>>
        %dma_wait3A_359 = arith.constant 0 : i32
        %dma_wait3A_360 = tpu.memref_slice %arg9[%run_scoped3A_282, %dma_wait3A_359] : memref<2x80xi32, #tpu.memory_space<vmem>> -> memref<1x80xi32, #tpu.memory_space<vmem>>
        %dma_wait3A_361 = tpu.memref_squeeze %dma_wait3A_360 : memref<1x80xi32, #tpu.memory_space<vmem>> -> memref<80xi32, #tpu.memory_space<vmem>>
        %dma_wait3A_362 = arith.constant 0 : i32
        %dma_wait3A_363 = arith.constant 0 : i32
        %dma_wait3A_364 = tpu.memref_slice %arg14[%dma_wait3A_362, %dma_wait3A_363] : memref<10000x128xf32, #tpu.memory_space<vmem_shared>> -> memref<10000x128xf32, #tpu.memory_space<vmem_shared>>
        tpu.wait_indirect_dma semaphore(%run_scoped3A_344 : memref<!tpu.dma_semaphore, #tpu.memory_space<semaphore_mem>>) src(%dma_wait3A_358 : memref<80x128xf32, #tpu.memory_space<vmem>>) dst(%dma_wait3A_364 : memref<10000x128xf32, #tpu.memory_space<vmem_shared>>)
        tpu.yield
      }) : () -> ()
      %dma_wait3A_283 = arith.constant 0 : i32
      %dma_wait3A_284 = arith.constant 0 : i32
      %dma_wait3A_285 = tpu.memref_slice %arg9[%dma_wait3A_283, %dma_wait3A_284] : memref<2x80xi32, #tpu.memory_space<vmem>> -> memref<1x80xi32, #tpu.memory_space<vmem>>
      %dma_wait3A_286 = tpu.memref_squeeze %dma_wait3A_285 : memref<1x80xi32, #tpu.memory_space<vmem>> -> memref<80xi32, #tpu.memory_space<vmem>>
      %dma_wait3A_287 = arith.constant 0 : i32
      %dma_wait3A_288 = tpu.memref_slice %arg15[%dma_wait3A_287] : memref<10000xf32, #tpu.memory_space<vmem_shared>> -> memref<10000xf32, #tpu.memory_space<vmem_shared>>
      tpu.wait_indirect_dma semaphore(%arg18 : memref<!tpu.dma_semaphore, #tpu.memory_space<semaphore_mem>>) src(%arg12 : memref<80xf32, #tpu.memory_space<vmem>>) dst(%dma_wait3A_288 : memref<10000xf32, #tpu.memory_space<vmem_shared>>)
      %add3A_289 = arith.constant 1 : i32
      %add3A_290 = arith.addi %scan3A_207, %add3A_289 : i32
      %lt3A = arith.constant 125 : i32
      %lt3A_291 = arith.cmpi slt, %add3A_290, %lt3A : i32
      %convert_element_type3A_292 = arith.extui %lt3A_291 : i1 to i32
      %cond3A_293 = arith.constant 0 : i32
      %cond3A_294 = arith.cmpi ne, %convert_element_type3A_292, %cond3A_293 : i32
      scf.if %cond3A_294 {
        %add3A_344 = arith.constant 2 : i32
        %add3A_345 = arith.addi %mul3A_209, %add3A_344 : i32
        %mul3A_346 = arith.constant 20000 : i32
        %mul3A_347 = arith.muli %arg1, %mul3A_346 : i32
        %mul3A_348 = arith.constant 80 : i32
        %mul3A_349 = arith.muli %add3A_345, %mul3A_348 : i32
        %add3A_350 = arith.addi %mul3A_347, %mul3A_349 : i32
        %dma_start3A_351 = arith.constant 0 : i32
        %dma_start3A_352 = arith.constant 0 : i32
        %dma_start3A_353 = tpu.memref_slice %arg9[%dma_start3A_351, %dma_start3A_352] : memref<2x80xi32, #tpu.memory_space<vmem>> -> memref<1x80xi32, #tpu.memory_space<vmem>>
        %dma_start3A_354 = tpu.memref_squeeze %dma_start3A_353 : memref<1x80xi32, #tpu.memory_space<vmem>> -> memref<80xi32, #tpu.memory_space<vmem>>
        %dma_start3A_355 = tpu.memref_slice %arg3[%add3A_350] : memref<320000xi32, #tpu.memory_space<hbm>> -> memref<80xi32, #tpu.memory_space<hbm>>
        %dma_start3A_356 = arith.constant 0 : i32
        %dma_start3A_357 = tpu.memref_slice %arg9[%dma_start3A_351, %dma_start3A_356] : memref<2x80xi32, #tpu.memory_space<vmem>> -> memref<1x80xi32, #tpu.memory_space<vmem>>
        %dma_start3A_358 = tpu.memref_squeeze %dma_start3A_357 : memref<1x80xi32, #tpu.memory_space<vmem>> -> memref<80xi32, #tpu.memory_space<vmem>>
        %dma_start3A_359 = tpu.memref_slice %arg3[%add3A_350] : memref<320000xi32, #tpu.memory_space<hbm>> -> memref<80xi32, #tpu.memory_space<hbm>>
        tpu.enqueue_dma source(%dma_start3A_359 : memref<80xi32, #tpu.memory_space<hbm>>) target(%dma_start3A_358 : memref<80xi32, #tpu.memory_space<vmem>>) target_semaphore(%arg16 : memref<!tpu.dma_semaphore, #tpu.memory_space<semaphore_mem>>)
        %add3A_360 = arith.constant 2 : i32
        %add3A_361 = arith.addi %mul3A_209, %add3A_360 : i32
        %dma_start3A_362 = arith.constant 0 : i32
        %dma_start3A_363 = arith.constant 0 : i32
        %dma_start3A_364 = arith.constant 0 : i32
        %dma_start3A_365 = tpu.memref_slice %arg10[%dma_start3A_362, %dma_start3A_363, %dma_start3A_364] : memref<2x80x128xf32, #tpu.memory_space<vmem>> -> memref<1x80x128xf32, #tpu.memory_space<vmem>>
        %dma_start3A_366 = tpu.memref_squeeze %dma_start3A_365 : memref<1x80x128xf32, #tpu.memory_space<vmem>> -> memref<80x128xf32, #tpu.memory_space<vmem>>
        %dma_start3A_367 = arith.constant 0 : i32
        %dma_start3A_368 = arith.constant 0 : i32
        %dma_start3A_369 = tpu.memref_slice %arg2[%arg1, %add3A_361, %dma_start3A_367, %dma_start3A_368] : memref<16x250x80x128xf32, #tpu.memory_space<hbm>> -> memref<1x1x80x128xf32, #tpu.memory_space<hbm>>
        %dma_start3A_370 = tpu.memref_squeeze %dma_start3A_369 : memref<1x1x80x128xf32, #tpu.memory_space<hbm>> -> memref<80x128xf32, #tpu.memory_space<hbm>>
        %dma_start3A_371 = arith.constant 0 : i32
        %dma_start3A_372 = arith.constant 0 : i32
        %dma_start3A_373 = tpu.memref_slice %arg10[%dma_start3A_362, %dma_start3A_371, %dma_start3A_372] : memref<2x80x128xf32, #tpu.memory_space<vmem>> -> memref<1x80x128xf32, #tpu.memory_space<vmem>>
        %dma_start3A_374 = tpu.memref_squeeze %dma_start3A_373 : memref<1x80x128xf32, #tpu.memory_space<vmem>> -> memref<80x128xf32, #tpu.memory_space<vmem>>
        %dma_start3A_375 = arith.constant 0 : i32
        %dma_start3A_376 = arith.constant 0 : i32
        %dma_start3A_377 = tpu.memref_slice %arg2[%arg1, %add3A_361, %dma_start3A_375, %dma_start3A_376] : memref<16x250x80x128xf32, #tpu.memory_space<hbm>> -> memref<1x1x80x128xf32, #tpu.memory_space<hbm>>
        %dma_start3A_378 = tpu.memref_squeeze %dma_start3A_377 : memref<1x1x80x128xf32, #tpu.memory_space<hbm>> -> memref<80x128xf32, #tpu.memory_space<hbm>>
        tpu.enqueue_dma source(%dma_start3A_378 : memref<80x128xf32, #tpu.memory_space<hbm>>) target(%dma_start3A_374 : memref<80x128xf32, #tpu.memory_space<vmem>>) target_semaphore(%arg16 : memref<!tpu.dma_semaphore, #tpu.memory_space<semaphore_mem>>)
      } else {
      }
      %add3A_295 = arith.constant 1 : i32
      %add3A_296 = arith.addi %mul3A_209, %add3A_295 : i32
      %mul3A_297 = arith.constant 20000 : i32
      %mul3A_298 = arith.muli %arg1, %mul3A_297 : i32
      %mul3A_299 = arith.constant 80 : i32
      %mul3A_300 = arith.muli %add3A_296, %mul3A_299 : i32
      %add3A_301 = arith.addi %mul3A_298, %mul3A_300 : i32
      %dma_wait3A_302 = arith.constant 1 : i32
      %dma_wait3A_303 = arith.constant 0 : i32
      %dma_wait3A_304 = tpu.memref_slice %arg9[%dma_wait3A_302, %dma_wait3A_303] : memref<2x80xi32, #tpu.memory_space<vmem>> -> memref<1x80xi32, #tpu.memory_space<vmem>>
      %dma_wait3A_305 = tpu.memref_squeeze %dma_wait3A_304 : memref<1x80xi32, #tpu.memory_space<vmem>> -> memref<80xi32, #tpu.memory_space<vmem>>
      %dma_wait3A_306 = tpu.memref_slice %arg3[%add3A_301] : memref<320000xi32, #tpu.memory_space<hbm>> -> memref<80xi32, #tpu.memory_space<hbm>>
      %dma_wait3A_307 = arith.constant 0 : i32
      %dma_wait3A_308 = tpu.memref_slice %arg9[%dma_wait3A_302, %dma_wait3A_307] : memref<2x80xi32, #tpu.memory_space<vmem>> -> memref<1x80xi32, #tpu.memory_space<vmem>>
      %dma_wait3A_309 = tpu.memref_squeeze %dma_wait3A_308 : memref<1x80xi32, #tpu.memory_space<vmem>> -> memref<80xi32, #tpu.memory_space<vmem>>
      %dma_wait3A_310 = tpu.memref_slice %arg3[%add3A_301] : memref<320000xi32, #tpu.memory_space<hbm>> -> memref<80xi32, #tpu.memory_space<hbm>>
      tpu.wait_dma2 semaphore(%arg17 : memref<!tpu.dma_semaphore, #tpu.memory_space<semaphore_mem>>) src(%dma_wait3A_310 : memref<80xi32, #tpu.memory_space<hbm>>) dst(%dma_wait3A_309 : memref<80xi32, #tpu.memory_space<vmem>>)
      %dma_start3A_311 = arith.constant 1 : i32
      %dma_start3A_312 = arith.constant 0 : i32
      %dma_start3A_313 = tpu.memref_slice %arg9[%dma_start3A_311, %dma_start3A_312] : memref<2x80xi32, #tpu.memory_space<vmem>> -> memref<1x80xi32, #tpu.memory_space<vmem>>
      %dma_start3A_314 = tpu.memref_squeeze %dma_start3A_313 : memref<1x80xi32, #tpu.memory_space<vmem>> -> memref<80xi32, #tpu.memory_space<vmem>>
      %dma_start3A_315 = arith.constant 0 : i32
      %dma_start3A_316 = tpu.memref_slice %arg15[%dma_start3A_315] : memref<10000xf32, #tpu.memory_space<vmem_shared>> -> memref<10000xf32, #tpu.memory_space<vmem_shared>>
      tpu.enqueue_indirect_dma source(%arg12 : memref<80xf32, #tpu.memory_space<vmem>>) target(%dma_start3A_316 : memref<10000xf32, #tpu.memory_space<vmem_shared>>) offsets(%dma_start3A_314 : memref<80xi32, #tpu.memory_space<vmem>>) semaphore(%arg18 : memref<!tpu.dma_semaphore, #tpu.memory_space<semaphore_mem>>) {add = true}
      %add3A_317 = arith.constant 1 : i32
      %add3A_318 = arith.addi %mul3A_209, %add3A_317 : i32
      %dma_wait3A_319 = arith.constant 1 : i32
      %dma_wait3A_320 = arith.constant 0 : i32
      %dma_wait3A_321 = arith.constant 0 : i32
      %dma_wait3A_322 = tpu.memref_slice %arg10[%dma_wait3A_319, %dma_wait3A_320, %dma_wait3A_321] : memref<2x80x128xf32, #tpu.memory_space<vmem>> -> memref<1x80x128xf32, #tpu.memory_space<vmem>>
      %dma_wait3A_323 = tpu.memref_squeeze %dma_wait3A_322 : memref<1x80x128xf32, #tpu.memory_space<vmem>> -> memref<80x128xf32, #tpu.memory_space<vmem>>
      %dma_wait3A_324 = arith.constant 0 : i32
      %dma_wait3A_325 = arith.constant 0 : i32
      %dma_wait3A_326 = tpu.memref_slice %arg2[%arg1, %add3A_318, %dma_wait3A_324, %dma_wait3A_325] : memref<16x250x80x128xf32, #tpu.memory_space<hbm>> -> memref<1x1x80x128xf32, #tpu.memory_space<hbm>>
      %dma_wait3A_327 = tpu.memref_squeeze %dma_wait3A_326 : memref<1x1x80x128xf32, #tpu.memory_space<hbm>> -> memref<80x128xf32, #tpu.memory_space<hbm>>
      %dma_wait3A_328 = arith.constant 0 : i32
      %dma_wait3A_329 = arith.constant 0 : i32
      %dma_wait3A_330 = tpu.memref_slice %arg10[%dma_wait3A_319, %dma_wait3A_328, %dma_wait3A_329] : memref<2x80x128xf32, #tpu.memory_space<vmem>> -> memref<1x80x128xf32, #tpu.memory_space<vmem>>
      %dma_wait3A_331 = tpu.memref_squeeze %dma_wait3A_330 : memref<1x80x128xf32, #tpu.memory_space<vmem>> -> memref<80x128xf32, #tpu.memory_space<vmem>>
      %dma_wait3A_332 = arith.constant 0 : i32
      %dma_wait3A_333 = arith.constant 0 : i32
      %dma_wait3A_334 = tpu.memref_slice %arg2[%arg1, %add3A_318, %dma_wait3A_332, %dma_wait3A_333] : memref<16x250x80x128xf32, #tpu.memory_space<hbm>> -> memref<1x1x80x128xf32, #tpu.memory_space<hbm>>
      %dma_wait3A_335 = tpu.memref_squeeze %dma_wait3A_334 : memref<1x1x80x128xf32, #tpu.memory_space<hbm>> -> memref<80x128xf32, #tpu.memory_space<hbm>>
      tpu.wait_dma2 semaphore(%arg17 : memref<!tpu.dma_semaphore, #tpu.memory_space<semaphore_mem>>) src(%dma_wait3A_335 : memref<80x128xf32, #tpu.memory_space<hbm>>) dst(%dma_wait3A_331 : memref<80x128xf32, #tpu.memory_space<vmem>>)
      %run_scoped3A_336 = arith.constant 1 : i32
      %run_scoped3A_337 = arith.constant 1 : i32
      "tpu.region"() ({
        %run_scoped3A_344 = tpu.sem_alloc : memref<!tpu.dma_semaphore, #tpu.memory_space<semaphore_mem>>
        %dma_start3A_345 = arith.constant 0 : i32
        %dma_start3A_346 = arith.constant 0 : i32
        %dma_start3A_347 = tpu.memref_slice %arg10[%run_scoped3A_336, %dma_start3A_345, %dma_start3A_346] : memref<2x80x128xf32, #tpu.memory_space<vmem>> -> memref<1x80x128xf32, #tpu.memory_space<vmem>>
        %dma_start3A_348 = tpu.memref_squeeze %dma_start3A_347 : memref<1x80x128xf32, #tpu.memory_space<vmem>> -> memref<80x128xf32, #tpu.memory_space<vmem>>
        %dma_start3A_349 = arith.constant 0 : i32
        %dma_start3A_350 = tpu.memref_slice %arg9[%run_scoped3A_337, %dma_start3A_349] : memref<2x80xi32, #tpu.memory_space<vmem>> -> memref<1x80xi32, #tpu.memory_space<vmem>>
        %dma_start3A_351 = tpu.memref_squeeze %dma_start3A_350 : memref<1x80xi32, #tpu.memory_space<vmem>> -> memref<80xi32, #tpu.memory_space<vmem>>
        %dma_start3A_352 = arith.constant 0 : i32
        %dma_start3A_353 = arith.constant 0 : i32
        %dma_start3A_354 = tpu.memref_slice %arg14[%dma_start3A_352, %dma_start3A_353] : memref<10000x128xf32, #tpu.memory_space<vmem_shared>> -> memref<10000x128xf32, #tpu.memory_space<vmem_shared>>
        tpu.enqueue_indirect_dma source(%dma_start3A_348 : memref<80x128xf32, #tpu.memory_space<vmem>>) target(%dma_start3A_354 : memref<10000x128xf32, #tpu.memory_space<vmem_shared>>) offsets(%dma_start3A_351 : memref<80xi32, #tpu.memory_space<vmem>>) semaphore(%run_scoped3A_344 : memref<!tpu.dma_semaphore, #tpu.memory_space<semaphore_mem>>) {add = true}
        %dma_wait3A_355 = arith.constant 0 : i32
        %dma_wait3A_356 = arith.constant 0 : i32
        %dma_wait3A_357 = tpu.memref_slice %arg10[%run_scoped3A_336, %dma_wait3A_355, %dma_wait3A_356] : memref<2x80x128xf32, #tpu.memory_space<vmem>> -> memref<1x80x128xf32, #tpu.memory_space<vmem>>
        %dma_wait3A_358 = tpu.memref_squeeze %dma_wait3A_357 : memref<1x80x128xf32, #tpu.memory_space<vmem>> -> memref<80x128xf32, #tpu.memory_space<vmem>>
        %dma_wait3A_359 = arith.constant 0 : i32
        %dma_wait3A_360 = tpu.memref_slice %arg9[%run_scoped3A_337, %dma_wait3A_359] : memref<2x80xi32, #tpu.memory_space<vmem>> -> memref<1x80xi32, #tpu.memory_space<vmem>>
        %dma_wait3A_361 = tpu.memref_squeeze %dma_wait3A_360 : memref<1x80xi32, #tpu.memory_space<vmem>> -> memref<80xi32, #tpu.memory_space<vmem>>
        %dma_wait3A_362 = arith.constant 0 : i32
        %dma_wait3A_363 = arith.constant 0 : i32
        %dma_wait3A_364 = tpu.memref_slice %arg14[%dma_wait3A_362, %dma_wait3A_363] : memref<10000x128xf32, #tpu.memory_space<vmem_shared>> -> memref<10000x128xf32, #tpu.memory_space<vmem_shared>>
        tpu.wait_indirect_dma semaphore(%run_scoped3A_344 : memref<!tpu.dma_semaphore, #tpu.memory_space<semaphore_mem>>) src(%dma_wait3A_358 : memref<80x128xf32, #tpu.memory_space<vmem>>) dst(%dma_wait3A_364 : memref<10000x128xf32, #tpu.memory_space<vmem_shared>>)
        tpu.yield
      }) : () -> ()
      %dma_wait3A_338 = arith.constant 1 : i32
      %dma_wait3A_339 = arith.constant 0 : i32
      %dma_wait3A_340 = tpu.memref_slice %arg9[%dma_wait3A_338, %dma_wait3A_339] : memref<2x80xi32, #tpu.memory_space<vmem>> -> memref<1x80xi32, #tpu.memory_space<vmem>>
      %dma_wait3A_341 = tpu.memref_squeeze %dma_wait3A_340 : memref<1x80xi32, #tpu.memory_space<vmem>> -> memref<80xi32, #tpu.memory_space<vmem>>
      %dma_wait3A_342 = arith.constant 0 : i32
      %dma_wait3A_343 = tpu.memref_slice %arg15[%dma_wait3A_342] : memref<10000xf32, #tpu.memory_space<vmem_shared>> -> memref<10000xf32, #tpu.memory_space<vmem_shared>>
      tpu.wait_indirect_dma semaphore(%arg18 : memref<!tpu.dma_semaphore, #tpu.memory_space<semaphore_mem>>) src(%arg12 : memref<80xf32, #tpu.memory_space<vmem>>) dst(%dma_wait3A_343 : memref<10000xf32, #tpu.memory_space<vmem_shared>>)
    }
    %scan3A_169 = arith.constant 125 : i32
    %barrier3A_170 = arith.constant 0 : index
    tpu.barrier barrier_id(%barrier3A_170)
    %add3A_171 = arith.constant 0 : i32
    %add3A_172 = arith.addi %mul3A_0, %add3A_171 : i32
    "tpu.region"() ({
      %run_scoped3A = tpu.sem_alloc : memref<!tpu.dma_semaphore, #tpu.memory_space<semaphore_mem>>
      %dma_start3A_207 = arith.constant 0 : i32
      %dma_start3A_208 = tpu.memref_slice %arg14[%add3A_172, %dma_start3A_207] : memref<10000x128xf32, #tpu.memory_space<vmem_shared>> -> memref<48x128xf32, #tpu.memory_space<vmem_shared>>
      %dma_start3A_209 = arith.constant 0 : i32
      %dma_start3A_210 = tpu.memref_slice %arg14[%add3A_172, %dma_start3A_209] : memref<10000x128xf32, #tpu.memory_space<vmem_shared>> -> memref<48x128xf32, #tpu.memory_space<vmem_shared>>
      tpu.enqueue_dma source(%dma_start3A_210 : memref<48x128xf32, #tpu.memory_space<vmem_shared>>) target(%arg11 : memref<48x128xf32, #tpu.memory_space<vmem>>) target_semaphore(%run_scoped3A : memref<!tpu.dma_semaphore, #tpu.memory_space<semaphore_mem>>)
      %dma_wait3A_211 = arith.constant 0 : i32
      %dma_wait3A_212 = tpu.memref_slice %arg14[%add3A_172, %dma_wait3A_211] : memref<10000x128xf32, #tpu.memory_space<vmem_shared>> -> memref<48x128xf32, #tpu.memory_space<vmem_shared>>
      %dma_wait3A_213 = arith.constant 0 : i32
      %dma_wait3A_214 = tpu.memref_slice %arg14[%add3A_172, %dma_wait3A_213] : memref<10000x128xf32, #tpu.memory_space<vmem_shared>> -> memref<48x128xf32, #tpu.memory_space<vmem_shared>>
      tpu.wait_dma2 semaphore(%run_scoped3A : memref<!tpu.dma_semaphore, #tpu.memory_space<semaphore_mem>>) src(%dma_wait3A_214 : memref<48x128xf32, #tpu.memory_space<vmem_shared>>) dst(%arg11 : memref<48x128xf32, #tpu.memory_space<vmem>>)
      tpu.yield
    }) : () -> ()
    "tpu.region"() ({
      %run_scoped3A = tpu.sem_alloc : memref<!tpu.dma_semaphore, #tpu.memory_space<semaphore_mem>>
      %dma_start3A_207 = arith.constant 0 : i32
      %dma_start3A_208 = tpu.memref_slice %arg7[%add3A_172, %dma_start3A_207] : memref<10000x128xf32, #tpu.memory_space<hbm>> -> memref<48x128xf32, #tpu.memory_space<hbm>>
      %dma_start3A_209 = arith.constant 0 : i32
      %dma_start3A_210 = tpu.memref_slice %arg7[%add3A_172, %dma_start3A_209] : memref<10000x128xf32, #tpu.memory_space<hbm>> -> memref<48x128xf32, #tpu.memory_space<hbm>>
      tpu.enqueue_dma source(%arg11 : memref<48x128xf32, #tpu.memory_space<vmem>>) target(%dma_start3A_210 : memref<48x128xf32, #tpu.memory_space<hbm>>) target_semaphore(%run_scoped3A : memref<!tpu.dma_semaphore, #tpu.memory_space<semaphore_mem>>)
      %dma_wait3A_211 = arith.constant 0 : i32
      %dma_wait3A_212 = tpu.memref_slice %arg7[%add3A_172, %dma_wait3A_211] : memref<10000x128xf32, #tpu.memory_space<hbm>> -> memref<48x128xf32, #tpu.memory_space<hbm>>
      %dma_wait3A_213 = arith.constant 0 : i32
      %dma_wait3A_214 = tpu.memref_slice %arg7[%add3A_172, %dma_wait3A_213] : memref<10000x128xf32, #tpu.memory_space<hbm>> -> memref<48x128xf32, #tpu.memory_space<hbm>>
      tpu.wait_dma2 semaphore(%run_scoped3A : memref<!tpu.dma_semaphore, #tpu.memory_space<semaphore_mem>>) src(%arg11 : memref<48x128xf32, #tpu.memory_space<vmem>>) dst(%dma_wait3A_214 : memref<48x128xf32, #tpu.memory_space<hbm>>)
      tpu.yield
    }) : () -> ()
    %add3A_173 = arith.constant 48 : i32
    %add3A_174 = arith.addi %mul3A_0, %add3A_173 : i32
    "tpu.region"() ({
      %run_scoped3A = tpu.sem_alloc : memref<!tpu.dma_semaphore, #tpu.memory_space<semaphore_mem>>
      %dma_start3A_207 = arith.constant 0 : i32
      %dma_start3A_208 = tpu.memref_slice %arg14[%add3A_174, %dma_start3A_207] : memref<10000x128xf32, #tpu.memory_space<vmem_shared>> -> memref<48x128xf32, #tpu.memory_space<vmem_shared>>
      %dma_start3A_209 = arith.constant 0 : i32
      %dma_start3A_210 = tpu.memref_slice %arg14[%add3A_174, %dma_start3A_209] : memref<10000x128xf32, #tpu.memory_space<vmem_shared>> -> memref<48x128xf32, #tpu.memory_space<vmem_shared>>
      tpu.enqueue_dma source(%dma_start3A_210 : memref<48x128xf32, #tpu.memory_space<vmem_shared>>) target(%arg11 : memref<48x128xf32, #tpu.memory_space<vmem>>) target_semaphore(%run_scoped3A : memref<!tpu.dma_semaphore, #tpu.memory_space<semaphore_mem>>)
      %dma_wait3A_211 = arith.constant 0 : i32
      %dma_wait3A_212 = tpu.memref_slice %arg14[%add3A_174, %dma_wait3A_211] : memref<10000x128xf32, #tpu.memory_space<vmem_shared>> -> memref<48x128xf32, #tpu.memory_space<vmem_shared>>
      %dma_wait3A_213 = arith.constant 0 : i32
      %dma_wait3A_214 = tpu.memref_slice %arg14[%add3A_174, %dma_wait3A_213] : memref<10000x128xf32, #tpu.memory_space<vmem_shared>> -> memref<48x128xf32, #tpu.memory_space<vmem_shared>>
      tpu.wait_dma2 semaphore(%run_scoped3A : memref<!tpu.dma_semaphore, #tpu.memory_space<semaphore_mem>>) src(%dma_wait3A_214 : memref<48x128xf32, #tpu.memory_space<vmem_shared>>) dst(%arg11 : memref<48x128xf32, #tpu.memory_space<vmem>>)
      tpu.yield
    }) : () -> ()
    "tpu.region"() ({
      %run_scoped3A = tpu.sem_alloc : memref<!tpu.dma_semaphore, #tpu.memory_space<semaphore_mem>>
      %dma_start3A_207 = arith.constant 0 : i32
      %dma_start3A_208 = tpu.memref_slice %arg7[%add3A_174, %dma_start3A_207] : memref<10000x128xf32, #tpu.memory_space<hbm>> -> memref<48x128xf32, #tpu.memory_space<hbm>>
      %dma_start3A_209 = arith.constant 0 : i32
      %dma_start3A_210 = tpu.memref_slice %arg7[%add3A_174, %dma_start3A_209] : memref<10000x128xf32, #tpu.memory_space<hbm>> -> memref<48x128xf32, #tpu.memory_space<hbm>>
      tpu.enqueue_dma source(%arg11 : memref<48x128xf32, #tpu.memory_space<vmem>>) target(%dma_start3A_210 : memref<48x128xf32, #tpu.memory_space<hbm>>) target_semaphore(%run_scoped3A : memref<!tpu.dma_semaphore, #tpu.memory_space<semaphore_mem>>)
      %dma_wait3A_211 = arith.constant 0 : i32
      %dma_wait3A_212 = tpu.memref_slice %arg7[%add3A_174, %dma_wait3A_211] : memref<10000x128xf32, #tpu.memory_space<hbm>> -> memref<48x128xf32, #tpu.memory_space<hbm>>
      %dma_wait3A_213 = arith.constant 0 : i32
      %dma_wait3A_214 = tpu.memref_slice %arg7[%add3A_174, %dma_wait3A_213] : memref<10000x128xf32, #tpu.memory_space<hbm>> -> memref<48x128xf32, #tpu.memory_space<hbm>>
      tpu.wait_dma2 semaphore(%run_scoped3A : memref<!tpu.dma_semaphore, #tpu.memory_space<semaphore_mem>>) src(%arg11 : memref<48x128xf32, #tpu.memory_space<vmem>>) dst(%dma_wait3A_214 : memref<48x128xf32, #tpu.memory_space<hbm>>)
      tpu.yield
    }) : () -> ()
    %add3A_175 = arith.constant 96 : i32
    %add3A_176 = arith.addi %mul3A_0, %add3A_175 : i32
    "tpu.region"() ({
      %run_scoped3A = tpu.sem_alloc : memref<!tpu.dma_semaphore, #tpu.memory_space<semaphore_mem>>
      %dma_start3A_207 = arith.constant 0 : i32
      %dma_start3A_208 = tpu.memref_slice %arg14[%add3A_176, %dma_start3A_207] : memref<10000x128xf32, #tpu.memory_space<vmem_shared>> -> memref<48x128xf32, #tpu.memory_space<vmem_shared>>
      %dma_start3A_209 = arith.constant 0 : i32
      %dma_start3A_210 = tpu.memref_slice %arg14[%add3A_176, %dma_start3A_209] : memref<10000x128xf32, #tpu.memory_space<vmem_shared>> -> memref<48x128xf32, #tpu.memory_space<vmem_shared>>
      tpu.enqueue_dma source(%dma_start3A_210 : memref<48x128xf32, #tpu.memory_space<vmem_shared>>) target(%arg11 : memref<48x128xf32, #tpu.memory_space<vmem>>) target_semaphore(%run_scoped3A : memref<!tpu.dma_semaphore, #tpu.memory_space<semaphore_mem>>)
      %dma_wait3A_211 = arith.constant 0 : i32
      %dma_wait3A_212 = tpu.memref_slice %arg14[%add3A_176, %dma_wait3A_211] : memref<10000x128xf32, #tpu.memory_space<vmem_shared>> -> memref<48x128xf32, #tpu.memory_space<vmem_shared>>
      %dma_wait3A_213 = arith.constant 0 : i32
      %dma_wait3A_214 = tpu.memref_slice %arg14[%add3A_176, %dma_wait3A_213] : memref<10000x128xf32, #tpu.memory_space<vmem_shared>> -> memref<48x128xf32, #tpu.memory_space<vmem_shared>>
      tpu.wait_dma2 semaphore(%run_scoped3A : memref<!tpu.dma_semaphore, #tpu.memory_space<semaphore_mem>>) src(%dma_wait3A_214 : memref<48x128xf32, #tpu.memory_space<vmem_shared>>) dst(%arg11 : memref<48x128xf32, #tpu.memory_space<vmem>>)
      tpu.yield
    }) : () -> ()
    "tpu.region"() ({
      %run_scoped3A = tpu.sem_alloc : memref<!tpu.dma_semaphore, #tpu.memory_space<semaphore_mem>>
      %dma_start3A_207 = arith.constant 0 : i32
      %dma_start3A_208 = tpu.memref_slice %arg7[%add3A_176, %dma_start3A_207] : memref<10000x128xf32, #tpu.memory_space<hbm>> -> memref<48x128xf32, #tpu.memory_space<hbm>>
      %dma_start3A_209 = arith.constant 0 : i32
      %dma_start3A_210 = tpu.memref_slice %arg7[%add3A_176, %dma_start3A_209] : memref<10000x128xf32, #tpu.memory_space<hbm>> -> memref<48x128xf32, #tpu.memory_space<hbm>>
      tpu.enqueue_dma source(%arg11 : memref<48x128xf32, #tpu.memory_space<vmem>>) target(%dma_start3A_210 : memref<48x128xf32, #tpu.memory_space<hbm>>) target_semaphore(%run_scoped3A : memref<!tpu.dma_semaphore, #tpu.memory_space<semaphore_mem>>)
      %dma_wait3A_211 = arith.constant 0 : i32
      %dma_wait3A_212 = tpu.memref_slice %arg7[%add3A_176, %dma_wait3A_211] : memref<10000x128xf32, #tpu.memory_space<hbm>> -> memref<48x128xf32, #tpu.memory_space<hbm>>
      %dma_wait3A_213 = arith.constant 0 : i32
      %dma_wait3A_214 = tpu.memref_slice %arg7[%add3A_176, %dma_wait3A_213] : memref<10000x128xf32, #tpu.memory_space<hbm>> -> memref<48x128xf32, #tpu.memory_space<hbm>>
      tpu.wait_dma2 semaphore(%run_scoped3A : memref<!tpu.dma_semaphore, #tpu.memory_space<semaphore_mem>>) src(%arg11 : memref<48x128xf32, #tpu.memory_space<vmem>>) dst(%dma_wait3A_214 : memref<48x128xf32, #tpu.memory_space<hbm>>)
      tpu.yield
    }) : () -> ()
    %add3A_177 = arith.constant 144 : i32
    %add3A_178 = arith.addi %mul3A_0, %add3A_177 : i32
    "tpu.region"() ({
      %run_scoped3A = tpu.sem_alloc : memref<!tpu.dma_semaphore, #tpu.memory_space<semaphore_mem>>
      %dma_start3A_207 = arith.constant 0 : i32
      %dma_start3A_208 = tpu.memref_slice %arg14[%add3A_178, %dma_start3A_207] : memref<10000x128xf32, #tpu.memory_space<vmem_shared>> -> memref<48x128xf32, #tpu.memory_space<vmem_shared>>
      %dma_start3A_209 = arith.constant 0 : i32
      %dma_start3A_210 = tpu.memref_slice %arg14[%add3A_178, %dma_start3A_209] : memref<10000x128xf32, #tpu.memory_space<vmem_shared>> -> memref<48x128xf32, #tpu.memory_space<vmem_shared>>
      tpu.enqueue_dma source(%dma_start3A_210 : memref<48x128xf32, #tpu.memory_space<vmem_shared>>) target(%arg11 : memref<48x128xf32, #tpu.memory_space<vmem>>) target_semaphore(%run_scoped3A : memref<!tpu.dma_semaphore, #tpu.memory_space<semaphore_mem>>)
      %dma_wait3A_211 = arith.constant 0 : i32
      %dma_wait3A_212 = tpu.memref_slice %arg14[%add3A_178, %dma_wait3A_211] : memref<10000x128xf32, #tpu.memory_space<vmem_shared>> -> memref<48x128xf32, #tpu.memory_space<vmem_shared>>
      %dma_wait3A_213 = arith.constant 0 : i32
      %dma_wait3A_214 = tpu.memref_slice %arg14[%add3A_178, %dma_wait3A_213] : memref<10000x128xf32, #tpu.memory_space<vmem_shared>> -> memref<48x128xf32, #tpu.memory_space<vmem_shared>>
      tpu.wait_dma2 semaphore(%run_scoped3A : memref<!tpu.dma_semaphore, #tpu.memory_space<semaphore_mem>>) src(%dma_wait3A_214 : memref<48x128xf32, #tpu.memory_space<vmem_shared>>) dst(%arg11 : memref<48x128xf32, #tpu.memory_space<vmem>>)
      tpu.yield
    }) : () -> ()
    "tpu.region"() ({
      %run_scoped3A = tpu.sem_alloc : memref<!tpu.dma_semaphore, #tpu.memory_space<semaphore_mem>>
      %dma_start3A_207 = arith.constant 0 : i32
      %dma_start3A_208 = tpu.memref_slice %arg7[%add3A_178, %dma_start3A_207] : memref<10000x128xf32, #tpu.memory_space<hbm>> -> memref<48x128xf32, #tpu.memory_space<hbm>>
      %dma_start3A_209 = arith.constant 0 : i32
      %dma_start3A_210 = tpu.memref_slice %arg7[%add3A_178, %dma_start3A_209] : memref<10000x128xf32, #tpu.memory_space<hbm>> -> memref<48x128xf32, #tpu.memory_space<hbm>>
      tpu.enqueue_dma source(%arg11 : memref<48x128xf32, #tpu.memory_space<vmem>>) target(%dma_start3A_210 : memref<48x128xf32, #tpu.memory_space<hbm>>) target_semaphore(%run_scoped3A : memref<!tpu.dma_semaphore, #tpu.memory_space<semaphore_mem>>)
      %dma_wait3A_211 = arith.constant 0 : i32
      %dma_wait3A_212 = tpu.memref_slice %arg7[%add3A_178, %dma_wait3A_211] : memref<10000x128xf32, #tpu.memory_space<hbm>> -> memref<48x128xf32, #tpu.memory_space<hbm>>
      %dma_wait3A_213 = arith.constant 0 : i32
      %dma_wait3A_214 = tpu.memref_slice %arg7[%add3A_178, %dma_wait3A_213] : memref<10000x128xf32, #tpu.memory_space<hbm>> -> memref<48x128xf32, #tpu.memory_space<hbm>>
      tpu.wait_dma2 semaphore(%run_scoped3A : memref<!tpu.dma_semaphore, #tpu.memory_space<semaphore_mem>>) src(%arg11 : memref<48x128xf32, #tpu.memory_space<vmem>>) dst(%dma_wait3A_214 : memref<48x128xf32, #tpu.memory_space<hbm>>)
      tpu.yield
    }) : () -> ()
    %add3A_179 = arith.constant 192 : i32
    %add3A_180 = arith.addi %mul3A_0, %add3A_179 : i32
    "tpu.region"() ({
      %run_scoped3A = tpu.sem_alloc : memref<!tpu.dma_semaphore, #tpu.memory_space<semaphore_mem>>
      %dma_start3A_207 = arith.constant 0 : i32
      %dma_start3A_208 = tpu.memref_slice %arg14[%add3A_180, %dma_start3A_207] : memref<10000x128xf32, #tpu.memory_space<vmem_shared>> -> memref<48x128xf32, #tpu.memory_space<vmem_shared>>
      %dma_start3A_209 = arith.constant 0 : i32
      %dma_start3A_210 = tpu.memref_slice %arg14[%add3A_180, %dma_start3A_209] : memref<10000x128xf32, #tpu.memory_space<vmem_shared>> -> memref<48x128xf32, #tpu.memory_space<vmem_shared>>
      tpu.enqueue_dma source(%dma_start3A_210 : memref<48x128xf32, #tpu.memory_space<vmem_shared>>) target(%arg11 : memref<48x128xf32, #tpu.memory_space<vmem>>) target_semaphore(%run_scoped3A : memref<!tpu.dma_semaphore, #tpu.memory_space<semaphore_mem>>)
      %dma_wait3A_211 = arith.constant 0 : i32
      %dma_wait3A_212 = tpu.memref_slice %arg14[%add3A_180, %dma_wait3A_211] : memref<10000x128xf32, #tpu.memory_space<vmem_shared>> -> memref<48x128xf32, #tpu.memory_space<vmem_shared>>
      %dma_wait3A_213 = arith.constant 0 : i32
      %dma_wait3A_214 = tpu.memref_slice %arg14[%add3A_180, %dma_wait3A_213] : memref<10000x128xf32, #tpu.memory_space<vmem_shared>> -> memref<48x128xf32, #tpu.memory_space<vmem_shared>>
      tpu.wait_dma2 semaphore(%run_scoped3A : memref<!tpu.dma_semaphore, #tpu.memory_space<semaphore_mem>>) src(%dma_wait3A_214 : memref<48x128xf32, #tpu.memory_space<vmem_shared>>) dst(%arg11 : memref<48x128xf32, #tpu.memory_space<vmem>>)
      tpu.yield
    }) : () -> ()
    "tpu.region"() ({
      %run_scoped3A = tpu.sem_alloc : memref<!tpu.dma_semaphore, #tpu.memory_space<semaphore_mem>>
      %dma_start3A_207 = arith.constant 0 : i32
      %dma_start3A_208 = tpu.memref_slice %arg7[%add3A_180, %dma_start3A_207] : memref<10000x128xf32, #tpu.memory_space<hbm>> -> memref<48x128xf32, #tpu.memory_space<hbm>>
      %dma_start3A_209 = arith.constant 0 : i32
      %dma_start3A_210 = tpu.memref_slice %arg7[%add3A_180, %dma_start3A_209] : memref<10000x128xf32, #tpu.memory_space<hbm>> -> memref<48x128xf32, #tpu.memory_space<hbm>>
      tpu.enqueue_dma source(%arg11 : memref<48x128xf32, #tpu.memory_space<vmem>>) target(%dma_start3A_210 : memref<48x128xf32, #tpu.memory_space<hbm>>) target_semaphore(%run_scoped3A : memref<!tpu.dma_semaphore, #tpu.memory_space<semaphore_mem>>)
      %dma_wait3A_211 = arith.constant 0 : i32
      %dma_wait3A_212 = tpu.memref_slice %arg7[%add3A_180, %dma_wait3A_211] : memref<10000x128xf32, #tpu.memory_space<hbm>> -> memref<48x128xf32, #tpu.memory_space<hbm>>
      %dma_wait3A_213 = arith.constant 0 : i32
      %dma_wait3A_214 = tpu.memref_slice %arg7[%add3A_180, %dma_wait3A_213] : memref<10000x128xf32, #tpu.memory_space<hbm>> -> memref<48x128xf32, #tpu.memory_space<hbm>>
      tpu.wait_dma2 semaphore(%run_scoped3A : memref<!tpu.dma_semaphore, #tpu.memory_space<semaphore_mem>>) src(%arg11 : memref<48x128xf32, #tpu.memory_space<vmem>>) dst(%dma_wait3A_214 : memref<48x128xf32, #tpu.memory_space<hbm>>)
      tpu.yield
    }) : () -> ()
    %add3A_181 = arith.constant 240 : i32
    %add3A_182 = arith.addi %mul3A_0, %add3A_181 : i32
    "tpu.region"() ({
      %run_scoped3A = tpu.sem_alloc : memref<!tpu.dma_semaphore, #tpu.memory_space<semaphore_mem>>
      %dma_start3A_207 = arith.constant 0 : i32
      %dma_start3A_208 = tpu.memref_slice %arg14[%add3A_182, %dma_start3A_207] : memref<10000x128xf32, #tpu.memory_space<vmem_shared>> -> memref<48x128xf32, #tpu.memory_space<vmem_shared>>
      %dma_start3A_209 = arith.constant 0 : i32
      %dma_start3A_210 = tpu.memref_slice %arg14[%add3A_182, %dma_start3A_209] : memref<10000x128xf32, #tpu.memory_space<vmem_shared>> -> memref<48x128xf32, #tpu.memory_space<vmem_shared>>
      tpu.enqueue_dma source(%dma_start3A_210 : memref<48x128xf32, #tpu.memory_space<vmem_shared>>) target(%arg11 : memref<48x128xf32, #tpu.memory_space<vmem>>) target_semaphore(%run_scoped3A : memref<!tpu.dma_semaphore, #tpu.memory_space<semaphore_mem>>)
      %dma_wait3A_211 = arith.constant 0 : i32
      %dma_wait3A_212 = tpu.memref_slice %arg14[%add3A_182, %dma_wait3A_211] : memref<10000x128xf32, #tpu.memory_space<vmem_shared>> -> memref<48x128xf32, #tpu.memory_space<vmem_shared>>
      %dma_wait3A_213 = arith.constant 0 : i32
      %dma_wait3A_214 = tpu.memref_slice %arg14[%add3A_182, %dma_wait3A_213] : memref<10000x128xf32, #tpu.memory_space<vmem_shared>> -> memref<48x128xf32, #tpu.memory_space<vmem_shared>>
      tpu.wait_dma2 semaphore(%run_scoped3A : memref<!tpu.dma_semaphore, #tpu.memory_space<semaphore_mem>>) src(%dma_wait3A_214 : memref<48x128xf32, #tpu.memory_space<vmem_shared>>) dst(%arg11 : memref<48x128xf32, #tpu.memory_space<vmem>>)
      tpu.yield
    }) : () -> ()
    "tpu.region"() ({
      %run_scoped3A = tpu.sem_alloc : memref<!tpu.dma_semaphore, #tpu.memory_space<semaphore_mem>>
      %dma_start3A_207 = arith.constant 0 : i32
      %dma_start3A_208 = tpu.memref_slice %arg7[%add3A_182, %dma_start3A_207] : memref<10000x128xf32, #tpu.memory_space<hbm>> -> memref<48x128xf32, #tpu.memory_space<hbm>>
      %dma_start3A_209 = arith.constant 0 : i32
      %dma_start3A_210 = tpu.memref_slice %arg7[%add3A_182, %dma_start3A_209] : memref<10000x128xf32, #tpu.memory_space<hbm>> -> memref<48x128xf32, #tpu.memory_space<hbm>>
      tpu.enqueue_dma source(%arg11 : memref<48x128xf32, #tpu.memory_space<vmem>>) target(%dma_start3A_210 : memref<48x128xf32, #tpu.memory_space<hbm>>) target_semaphore(%run_scoped3A : memref<!tpu.dma_semaphore, #tpu.memory_space<semaphore_mem>>)
      %dma_wait3A_211 = arith.constant 0 : i32
      %dma_wait3A_212 = tpu.memref_slice %arg7[%add3A_182, %dma_wait3A_211] : memref<10000x128xf32, #tpu.memory_space<hbm>> -> memref<48x128xf32, #tpu.memory_space<hbm>>
      %dma_wait3A_213 = arith.constant 0 : i32
      %dma_wait3A_214 = tpu.memref_slice %arg7[%add3A_182, %dma_wait3A_213] : memref<10000x128xf32, #tpu.memory_space<hbm>> -> memref<48x128xf32, #tpu.memory_space<hbm>>
      tpu.wait_dma2 semaphore(%run_scoped3A : memref<!tpu.dma_semaphore, #tpu.memory_space<semaphore_mem>>) src(%arg11 : memref<48x128xf32, #tpu.memory_space<vmem>>) dst(%dma_wait3A_214 : memref<48x128xf32, #tpu.memory_space<hbm>>)
      tpu.yield
    }) : () -> ()
    %add3A_183 = arith.constant 288 : i32
    %add3A_184 = arith.addi %mul3A_0, %add3A_183 : i32
    "tpu.region"() ({
      %run_scoped3A = tpu.sem_alloc : memref<!tpu.dma_semaphore, #tpu.memory_space<semaphore_mem>>
      %dma_start3A_207 = arith.constant 0 : i32
      %dma_start3A_208 = tpu.memref_slice %arg14[%add3A_184, %dma_start3A_207] : memref<10000x128xf32, #tpu.memory_space<vmem_shared>> -> memref<48x128xf32, #tpu.memory_space<vmem_shared>>
      %dma_start3A_209 = arith.constant 0 : i32
      %dma_start3A_210 = tpu.memref_slice %arg14[%add3A_184, %dma_start3A_209] : memref<10000x128xf32, #tpu.memory_space<vmem_shared>> -> memref<48x128xf32, #tpu.memory_space<vmem_shared>>
      tpu.enqueue_dma source(%dma_start3A_210 : memref<48x128xf32, #tpu.memory_space<vmem_shared>>) target(%arg11 : memref<48x128xf32, #tpu.memory_space<vmem>>) target_semaphore(%run_scoped3A : memref<!tpu.dma_semaphore, #tpu.memory_space<semaphore_mem>>)
      %dma_wait3A_211 = arith.constant 0 : i32
      %dma_wait3A_212 = tpu.memref_slice %arg14[%add3A_184, %dma_wait3A_211] : memref<10000x128xf32, #tpu.memory_space<vmem_shared>> -> memref<48x128xf32, #tpu.memory_space<vmem_shared>>
      %dma_wait3A_213 = arith.constant 0 : i32
      %dma_wait3A_214 = tpu.memref_slice %arg14[%add3A_184, %dma_wait3A_213] : memref<10000x128xf32, #tpu.memory_space<vmem_shared>> -> memref<48x128xf32, #tpu.memory_space<vmem_shared>>
      tpu.wait_dma2 semaphore(%run_scoped3A : memref<!tpu.dma_semaphore, #tpu.memory_space<semaphore_mem>>) src(%dma_wait3A_214 : memref<48x128xf32, #tpu.memory_space<vmem_shared>>) dst(%arg11 : memref<48x128xf32, #tpu.memory_space<vmem>>)
      tpu.yield
    }) : () -> ()
    "tpu.region"() ({
      %run_scoped3A = tpu.sem_alloc : memref<!tpu.dma_semaphore, #tpu.memory_space<semaphore_mem>>
      %dma_start3A_207 = arith.constant 0 : i32
      %dma_start3A_208 = tpu.memref_slice %arg7[%add3A_184, %dma_start3A_207] : memref<10000x128xf32, #tpu.memory_space<hbm>> -> memref<48x128xf32, #tpu.memory_space<hbm>>
      %dma_start3A_209 = arith.constant 0 : i32
      %dma_start3A_210 = tpu.memref_slice %arg7[%add3A_184, %dma_start3A_209] : memref<10000x128xf32, #tpu.memory_space<hbm>> -> memref<48x128xf32, #tpu.memory_space<hbm>>
      tpu.enqueue_dma source(%arg11 : memref<48x128xf32, #tpu.memory_space<vmem>>) target(%dma_start3A_210 : memref<48x128xf32, #tpu.memory_space<hbm>>) target_semaphore(%run_scoped3A : memref<!tpu.dma_semaphore, #tpu.memory_space<semaphore_mem>>)
      %dma_wait3A_211 = arith.constant 0 : i32
      %dma_wait3A_212 = tpu.memref_slice %arg7[%add3A_184, %dma_wait3A_211] : memref<10000x128xf32, #tpu.memory_space<hbm>> -> memref<48x128xf32, #tpu.memory_space<hbm>>
      %dma_wait3A_213 = arith.constant 0 : i32
      %dma_wait3A_214 = tpu.memref_slice %arg7[%add3A_184, %dma_wait3A_213] : memref<10000x128xf32, #tpu.memory_space<hbm>> -> memref<48x128xf32, #tpu.memory_space<hbm>>
      tpu.wait_dma2 semaphore(%run_scoped3A : memref<!tpu.dma_semaphore, #tpu.memory_space<semaphore_mem>>) src(%arg11 : memref<48x128xf32, #tpu.memory_space<vmem>>) dst(%dma_wait3A_214 : memref<48x128xf32, #tpu.memory_space<hbm>>)
      tpu.yield
    }) : () -> ()
    %add3A_185 = arith.constant 336 : i32
    %add3A_186 = arith.addi %mul3A_0, %add3A_185 : i32
    "tpu.region"() ({
      %run_scoped3A = tpu.sem_alloc : memref<!tpu.dma_semaphore, #tpu.memory_space<semaphore_mem>>
      %dma_start3A_207 = arith.constant 0 : i32
      %dma_start3A_208 = tpu.memref_slice %arg14[%add3A_186, %dma_start3A_207] : memref<10000x128xf32, #tpu.memory_space<vmem_shared>> -> memref<48x128xf32, #tpu.memory_space<vmem_shared>>
      %dma_start3A_209 = arith.constant 0 : i32
      %dma_start3A_210 = tpu.memref_slice %arg14[%add3A_186, %dma_start3A_209] : memref<10000x128xf32, #tpu.memory_space<vmem_shared>> -> memref<48x128xf32, #tpu.memory_space<vmem_shared>>
      tpu.enqueue_dma source(%dma_start3A_210 : memref<48x128xf32, #tpu.memory_space<vmem_shared>>) target(%arg11 : memref<48x128xf32, #tpu.memory_space<vmem>>) target_semaphore(%run_scoped3A : memref<!tpu.dma_semaphore, #tpu.memory_space<semaphore_mem>>)
      %dma_wait3A_211 = arith.constant 0 : i32
      %dma_wait3A_212 = tpu.memref_slice %arg14[%add3A_186, %dma_wait3A_211] : memref<10000x128xf32, #tpu.memory_space<vmem_shared>> -> memref<48x128xf32, #tpu.memory_space<vmem_shared>>
      %dma_wait3A_213 = arith.constant 0 : i32
      %dma_wait3A_214 = tpu.memref_slice %arg14[%add3A_186, %dma_wait3A_213] : memref<10000x128xf32, #tpu.memory_space<vmem_shared>> -> memref<48x128xf32, #tpu.memory_space<vmem_shared>>
      tpu.wait_dma2 semaphore(%run_scoped3A : memref<!tpu.dma_semaphore, #tpu.memory_space<semaphore_mem>>) src(%dma_wait3A_214 : memref<48x128xf32, #tpu.memory_space<vmem_shared>>) dst(%arg11 : memref<48x128xf32, #tpu.memory_space<vmem>>)
      tpu.yield
    }) : () -> ()
    "tpu.region"() ({
      %run_scoped3A = tpu.sem_alloc : memref<!tpu.dma_semaphore, #tpu.memory_space<semaphore_mem>>
      %dma_start3A_207 = arith.constant 0 : i32
      %dma_start3A_208 = tpu.memref_slice %arg7[%add3A_186, %dma_start3A_207] : memref<10000x128xf32, #tpu.memory_space<hbm>> -> memref<48x128xf32, #tpu.memory_space<hbm>>
      %dma_start3A_209 = arith.constant 0 : i32
      %dma_start3A_210 = tpu.memref_slice %arg7[%add3A_186, %dma_start3A_209] : memref<10000x128xf32, #tpu.memory_space<hbm>> -> memref<48x128xf32, #tpu.memory_space<hbm>>
      tpu.enqueue_dma source(%arg11 : memref<48x128xf32, #tpu.memory_space<vmem>>) target(%dma_start3A_210 : memref<48x128xf32, #tpu.memory_space<hbm>>) target_semaphore(%run_scoped3A : memref<!tpu.dma_semaphore, #tpu.memory_space<semaphore_mem>>)
      %dma_wait3A_211 = arith.constant 0 : i32
      %dma_wait3A_212 = tpu.memref_slice %arg7[%add3A_186, %dma_wait3A_211] : memref<10000x128xf32, #tpu.memory_space<hbm>> -> memref<48x128xf32, #tpu.memory_space<hbm>>
      %dma_wait3A_213 = arith.constant 0 : i32
      %dma_wait3A_214 = tpu.memref_slice %arg7[%add3A_186, %dma_wait3A_213] : memref<10000x128xf32, #tpu.memory_space<hbm>> -> memref<48x128xf32, #tpu.memory_space<hbm>>
      tpu.wait_dma2 semaphore(%run_scoped3A : memref<!tpu.dma_semaphore, #tpu.memory_space<semaphore_mem>>) src(%arg11 : memref<48x128xf32, #tpu.memory_space<vmem>>) dst(%dma_wait3A_214 : memref<48x128xf32, #tpu.memory_space<hbm>>)
      tpu.yield
    }) : () -> ()
    %add3A_187 = arith.constant 384 : i32
    %add3A_188 = arith.addi %mul3A_0, %add3A_187 : i32
    "tpu.region"() ({
      %run_scoped3A = tpu.sem_alloc : memref<!tpu.dma_semaphore, #tpu.memory_space<semaphore_mem>>
      %dma_start3A_207 = arith.constant 0 : i32
      %dma_start3A_208 = tpu.memref_slice %arg14[%add3A_188, %dma_start3A_207] : memref<10000x128xf32, #tpu.memory_space<vmem_shared>> -> memref<48x128xf32, #tpu.memory_space<vmem_shared>>
      %dma_start3A_209 = arith.constant 0 : i32
      %dma_start3A_210 = tpu.memref_slice %arg14[%add3A_188, %dma_start3A_209] : memref<10000x128xf32, #tpu.memory_space<vmem_shared>> -> memref<48x128xf32, #tpu.memory_space<vmem_shared>>
      tpu.enqueue_dma source(%dma_start3A_210 : memref<48x128xf32, #tpu.memory_space<vmem_shared>>) target(%arg11 : memref<48x128xf32, #tpu.memory_space<vmem>>) target_semaphore(%run_scoped3A : memref<!tpu.dma_semaphore, #tpu.memory_space<semaphore_mem>>)
      %dma_wait3A_211 = arith.constant 0 : i32
      %dma_wait3A_212 = tpu.memref_slice %arg14[%add3A_188, %dma_wait3A_211] : memref<10000x128xf32, #tpu.memory_space<vmem_shared>> -> memref<48x128xf32, #tpu.memory_space<vmem_shared>>
      %dma_wait3A_213 = arith.constant 0 : i32
      %dma_wait3A_214 = tpu.memref_slice %arg14[%add3A_188, %dma_wait3A_213] : memref<10000x128xf32, #tpu.memory_space<vmem_shared>> -> memref<48x128xf32, #tpu.memory_space<vmem_shared>>
      tpu.wait_dma2 semaphore(%run_scoped3A : memref<!tpu.dma_semaphore, #tpu.memory_space<semaphore_mem>>) src(%dma_wait3A_214 : memref<48x128xf32, #tpu.memory_space<vmem_shared>>) dst(%arg11 : memref<48x128xf32, #tpu.memory_space<vmem>>)
      tpu.yield
    }) : () -> ()
    "tpu.region"() ({
      %run_scoped3A = tpu.sem_alloc : memref<!tpu.dma_semaphore, #tpu.memory_space<semaphore_mem>>
      %dma_start3A_207 = arith.constant 0 : i32
      %dma_start3A_208 = tpu.memref_slice %arg7[%add3A_188, %dma_start3A_207] : memref<10000x128xf32, #tpu.memory_space<hbm>> -> memref<48x128xf32, #tpu.memory_space<hbm>>
      %dma_start3A_209 = arith.constant 0 : i32
      %dma_start3A_210 = tpu.memref_slice %arg7[%add3A_188, %dma_start3A_209] : memref<10000x128xf32, #tpu.memory_space<hbm>> -> memref<48x128xf32, #tpu.memory_space<hbm>>
      tpu.enqueue_dma source(%arg11 : memref<48x128xf32, #tpu.memory_space<vmem>>) target(%dma_start3A_210 : memref<48x128xf32, #tpu.memory_space<hbm>>) target_semaphore(%run_scoped3A : memref<!tpu.dma_semaphore, #tpu.memory_space<semaphore_mem>>)
      %dma_wait3A_211 = arith.constant 0 : i32
      %dma_wait3A_212 = tpu.memref_slice %arg7[%add3A_188, %dma_wait3A_211] : memref<10000x128xf32, #tpu.memory_space<hbm>> -> memref<48x128xf32, #tpu.memory_space<hbm>>
      %dma_wait3A_213 = arith.constant 0 : i32
      %dma_wait3A_214 = tpu.memref_slice %arg7[%add3A_188, %dma_wait3A_213] : memref<10000x128xf32, #tpu.memory_space<hbm>> -> memref<48x128xf32, #tpu.memory_space<hbm>>
      tpu.wait_dma2 semaphore(%run_scoped3A : memref<!tpu.dma_semaphore, #tpu.memory_space<semaphore_mem>>) src(%arg11 : memref<48x128xf32, #tpu.memory_space<vmem>>) dst(%dma_wait3A_214 : memref<48x128xf32, #tpu.memory_space<hbm>>)
      tpu.yield
    }) : () -> ()
    %add3A_189 = arith.constant 432 : i32
    %add3A_190 = arith.addi %mul3A_0, %add3A_189 : i32
    "tpu.region"() ({
      %run_scoped3A = tpu.sem_alloc : memref<!tpu.dma_semaphore, #tpu.memory_space<semaphore_mem>>
      %dma_start3A_207 = arith.constant 0 : i32
      %dma_start3A_208 = tpu.memref_slice %arg14[%add3A_190, %dma_start3A_207] : memref<10000x128xf32, #tpu.memory_space<vmem_shared>> -> memref<48x128xf32, #tpu.memory_space<vmem_shared>>
      %dma_start3A_209 = arith.constant 0 : i32
      %dma_start3A_210 = tpu.memref_slice %arg14[%add3A_190, %dma_start3A_209] : memref<10000x128xf32, #tpu.memory_space<vmem_shared>> -> memref<48x128xf32, #tpu.memory_space<vmem_shared>>
      tpu.enqueue_dma source(%dma_start3A_210 : memref<48x128xf32, #tpu.memory_space<vmem_shared>>) target(%arg11 : memref<48x128xf32, #tpu.memory_space<vmem>>) target_semaphore(%run_scoped3A : memref<!tpu.dma_semaphore, #tpu.memory_space<semaphore_mem>>)
      %dma_wait3A_211 = arith.constant 0 : i32
      %dma_wait3A_212 = tpu.memref_slice %arg14[%add3A_190, %dma_wait3A_211] : memref<10000x128xf32, #tpu.memory_space<vmem_shared>> -> memref<48x128xf32, #tpu.memory_space<vmem_shared>>
      %dma_wait3A_213 = arith.constant 0 : i32
      %dma_wait3A_214 = tpu.memref_slice %arg14[%add3A_190, %dma_wait3A_213] : memref<10000x128xf32, #tpu.memory_space<vmem_shared>> -> memref<48x128xf32, #tpu.memory_space<vmem_shared>>
      tpu.wait_dma2 semaphore(%run_scoped3A : memref<!tpu.dma_semaphore, #tpu.memory_space<semaphore_mem>>) src(%dma_wait3A_214 : memref<48x128xf32, #tpu.memory_space<vmem_shared>>) dst(%arg11 : memref<48x128xf32, #tpu.memory_space<vmem>>)
      tpu.yield
    }) : () -> ()
    "tpu.region"() ({
      %run_scoped3A = tpu.sem_alloc : memref<!tpu.dma_semaphore, #tpu.memory_space<semaphore_mem>>
      %dma_start3A_207 = arith.constant 0 : i32
      %dma_start3A_208 = tpu.memref_slice %arg7[%add3A_190, %dma_start3A_207] : memref<10000x128xf32, #tpu.memory_space<hbm>> -> memref<48x128xf32, #tpu.memory_space<hbm>>
      %dma_start3A_209 = arith.constant 0 : i32
      %dma_start3A_210 = tpu.memref_slice %arg7[%add3A_190, %dma_start3A_209] : memref<10000x128xf32, #tpu.memory_space<hbm>> -> memref<48x128xf32, #tpu.memory_space<hbm>>
      tpu.enqueue_dma source(%arg11 : memref<48x128xf32, #tpu.memory_space<vmem>>) target(%dma_start3A_210 : memref<48x128xf32, #tpu.memory_space<hbm>>) target_semaphore(%run_scoped3A : memref<!tpu.dma_semaphore, #tpu.memory_space<semaphore_mem>>)
      %dma_wait3A_211 = arith.constant 0 : i32
      %dma_wait3A_212 = tpu.memref_slice %arg7[%add3A_190, %dma_wait3A_211] : memref<10000x128xf32, #tpu.memory_space<hbm>> -> memref<48x128xf32, #tpu.memory_space<hbm>>
      %dma_wait3A_213 = arith.constant 0 : i32
      %dma_wait3A_214 = tpu.memref_slice %arg7[%add3A_190, %dma_wait3A_213] : memref<10000x128xf32, #tpu.memory_space<hbm>> -> memref<48x128xf32, #tpu.memory_space<hbm>>
      tpu.wait_dma2 semaphore(%run_scoped3A : memref<!tpu.dma_semaphore, #tpu.memory_space<semaphore_mem>>) src(%arg11 : memref<48x128xf32, #tpu.memory_space<vmem>>) dst(%dma_wait3A_214 : memref<48x128xf32, #tpu.memory_space<hbm>>)
      tpu.yield
    }) : () -> ()
    %add3A_191 = arith.constant 480 : i32
    %add3A_192 = arith.addi %mul3A_0, %add3A_191 : i32
    "tpu.region"() ({
      %run_scoped3A = tpu.sem_alloc : memref<!tpu.dma_semaphore, #tpu.memory_space<semaphore_mem>>
      %dma_start3A_207 = arith.constant 0 : i32
      %dma_start3A_208 = tpu.memref_slice %arg14[%add3A_192, %dma_start3A_207] : memref<10000x128xf32, #tpu.memory_space<vmem_shared>> -> memref<48x128xf32, #tpu.memory_space<vmem_shared>>
      %dma_start3A_209 = arith.constant 0 : i32
      %dma_start3A_210 = tpu.memref_slice %arg14[%add3A_192, %dma_start3A_209] : memref<10000x128xf32, #tpu.memory_space<vmem_shared>> -> memref<48x128xf32, #tpu.memory_space<vmem_shared>>
      tpu.enqueue_dma source(%dma_start3A_210 : memref<48x128xf32, #tpu.memory_space<vmem_shared>>) target(%arg11 : memref<48x128xf32, #tpu.memory_space<vmem>>) target_semaphore(%run_scoped3A : memref<!tpu.dma_semaphore, #tpu.memory_space<semaphore_mem>>)
      %dma_wait3A_211 = arith.constant 0 : i32
      %dma_wait3A_212 = tpu.memref_slice %arg14[%add3A_192, %dma_wait3A_211] : memref<10000x128xf32, #tpu.memory_space<vmem_shared>> -> memref<48x128xf32, #tpu.memory_space<vmem_shared>>
      %dma_wait3A_213 = arith.constant 0 : i32
      %dma_wait3A_214 = tpu.memref_slice %arg14[%add3A_192, %dma_wait3A_213] : memref<10000x128xf32, #tpu.memory_space<vmem_shared>> -> memref<48x128xf32, #tpu.memory_space<vmem_shared>>
      tpu.wait_dma2 semaphore(%run_scoped3A : memref<!tpu.dma_semaphore, #tpu.memory_space<semaphore_mem>>) src(%dma_wait3A_214 : memref<48x128xf32, #tpu.memory_space<vmem_shared>>) dst(%arg11 : memref<48x128xf32, #tpu.memory_space<vmem>>)
      tpu.yield
    }) : () -> ()
    "tpu.region"() ({
      %run_scoped3A = tpu.sem_alloc : memref<!tpu.dma_semaphore, #tpu.memory_space<semaphore_mem>>
      %dma_start3A_207 = arith.constant 0 : i32
      %dma_start3A_208 = tpu.memref_slice %arg7[%add3A_192, %dma_start3A_207] : memref<10000x128xf32, #tpu.memory_space<hbm>> -> memref<48x128xf32, #tpu.memory_space<hbm>>
      %dma_start3A_209 = arith.constant 0 : i32
      %dma_start3A_210 = tpu.memref_slice %arg7[%add3A_192, %dma_start3A_209] : memref<10000x128xf32, #tpu.memory_space<hbm>> -> memref<48x128xf32, #tpu.memory_space<hbm>>
      tpu.enqueue_dma source(%arg11 : memref<48x128xf32, #tpu.memory_space<vmem>>) target(%dma_start3A_210 : memref<48x128xf32, #tpu.memory_space<hbm>>) target_semaphore(%run_scoped3A : memref<!tpu.dma_semaphore, #tpu.memory_space<semaphore_mem>>)
      %dma_wait3A_211 = arith.constant 0 : i32
      %dma_wait3A_212 = tpu.memref_slice %arg7[%add3A_192, %dma_wait3A_211] : memref<10000x128xf32, #tpu.memory_space<hbm>> -> memref<48x128xf32, #tpu.memory_space<hbm>>
      %dma_wait3A_213 = arith.constant 0 : i32
      %dma_wait3A_214 = tpu.memref_slice %arg7[%add3A_192, %dma_wait3A_213] : memref<10000x128xf32, #tpu.memory_space<hbm>> -> memref<48x128xf32, #tpu.memory_space<hbm>>
      tpu.wait_dma2 semaphore(%run_scoped3A : memref<!tpu.dma_semaphore, #tpu.memory_space<semaphore_mem>>) src(%arg11 : memref<48x128xf32, #tpu.memory_space<vmem>>) dst(%dma_wait3A_214 : memref<48x128xf32, #tpu.memory_space<hbm>>)
      tpu.yield
    }) : () -> ()
    %add3A_193 = arith.constant 528 : i32
    %add3A_194 = arith.addi %mul3A_0, %add3A_193 : i32
    "tpu.region"() ({
      %run_scoped3A = tpu.sem_alloc : memref<!tpu.dma_semaphore, #tpu.memory_space<semaphore_mem>>
      %dma_start3A_207 = arith.constant 0 : i32
      %dma_start3A_208 = tpu.memref_slice %arg14[%add3A_194, %dma_start3A_207] : memref<10000x128xf32, #tpu.memory_space<vmem_shared>> -> memref<48x128xf32, #tpu.memory_space<vmem_shared>>
      %dma_start3A_209 = arith.constant 0 : i32
      %dma_start3A_210 = tpu.memref_slice %arg14[%add3A_194, %dma_start3A_209] : memref<10000x128xf32, #tpu.memory_space<vmem_shared>> -> memref<48x128xf32, #tpu.memory_space<vmem_shared>>
      tpu.enqueue_dma source(%dma_start3A_210 : memref<48x128xf32, #tpu.memory_space<vmem_shared>>) target(%arg11 : memref<48x128xf32, #tpu.memory_space<vmem>>) target_semaphore(%run_scoped3A : memref<!tpu.dma_semaphore, #tpu.memory_space<semaphore_mem>>)
      %dma_wait3A_211 = arith.constant 0 : i32
      %dma_wait3A_212 = tpu.memref_slice %arg14[%add3A_194, %dma_wait3A_211] : memref<10000x128xf32, #tpu.memory_space<vmem_shared>> -> memref<48x128xf32, #tpu.memory_space<vmem_shared>>
      %dma_wait3A_213 = arith.constant 0 : i32
      %dma_wait3A_214 = tpu.memref_slice %arg14[%add3A_194, %dma_wait3A_213] : memref<10000x128xf32, #tpu.memory_space<vmem_shared>> -> memref<48x128xf32, #tpu.memory_space<vmem_shared>>
      tpu.wait_dma2 semaphore(%run_scoped3A : memref<!tpu.dma_semaphore, #tpu.memory_space<semaphore_mem>>) src(%dma_wait3A_214 : memref<48x128xf32, #tpu.memory_space<vmem_shared>>) dst(%arg11 : memref<48x128xf32, #tpu.memory_space<vmem>>)
      tpu.yield
    }) : () -> ()
    "tpu.region"() ({
      %run_scoped3A = tpu.sem_alloc : memref<!tpu.dma_semaphore, #tpu.memory_space<semaphore_mem>>
      %dma_start3A_207 = arith.constant 0 : i32
      %dma_start3A_208 = tpu.memref_slice %arg7[%add3A_194, %dma_start3A_207] : memref<10000x128xf32, #tpu.memory_space<hbm>> -> memref<48x128xf32, #tpu.memory_space<hbm>>
      %dma_start3A_209 = arith.constant 0 : i32
      %dma_start3A_210 = tpu.memref_slice %arg7[%add3A_194, %dma_start3A_209] : memref<10000x128xf32, #tpu.memory_space<hbm>> -> memref<48x128xf32, #tpu.memory_space<hbm>>
      tpu.enqueue_dma source(%arg11 : memref<48x128xf32, #tpu.memory_space<vmem>>) target(%dma_start3A_210 : memref<48x128xf32, #tpu.memory_space<hbm>>) target_semaphore(%run_scoped3A : memref<!tpu.dma_semaphore, #tpu.memory_space<semaphore_mem>>)
      %dma_wait3A_211 = arith.constant 0 : i32
      %dma_wait3A_212 = tpu.memref_slice %arg7[%add3A_194, %dma_wait3A_211] : memref<10000x128xf32, #tpu.memory_space<hbm>> -> memref<48x128xf32, #tpu.memory_space<hbm>>
      %dma_wait3A_213 = arith.constant 0 : i32
      %dma_wait3A_214 = tpu.memref_slice %arg7[%add3A_194, %dma_wait3A_213] : memref<10000x128xf32, #tpu.memory_space<hbm>> -> memref<48x128xf32, #tpu.memory_space<hbm>>
      tpu.wait_dma2 semaphore(%run_scoped3A : memref<!tpu.dma_semaphore, #tpu.memory_space<semaphore_mem>>) src(%arg11 : memref<48x128xf32, #tpu.memory_space<vmem>>) dst(%dma_wait3A_214 : memref<48x128xf32, #tpu.memory_space<hbm>>)
      tpu.yield
    }) : () -> ()
    %add3A_195 = arith.constant 576 : i32
    %add3A_196 = arith.addi %mul3A_0, %add3A_195 : i32
    "tpu.region"() ({
      %run_scoped3A = tpu.sem_alloc : memref<!tpu.dma_semaphore, #tpu.memory_space<semaphore_mem>>
      %dma_start3A_207 = arith.constant 0 : i32
      %dma_start3A_208 = tpu.memref_slice %arg14[%add3A_196, %dma_start3A_207] : memref<10000x128xf32, #tpu.memory_space<vmem_shared>> -> memref<48x128xf32, #tpu.memory_space<vmem_shared>>
      %dma_start3A_209 = arith.constant 0 : i32
      %dma_start3A_210 = tpu.memref_slice %arg14[%add3A_196, %dma_start3A_209] : memref<10000x128xf32, #tpu.memory_space<vmem_shared>> -> memref<48x128xf32, #tpu.memory_space<vmem_shared>>
      tpu.enqueue_dma source(%dma_start3A_210 : memref<48x128xf32, #tpu.memory_space<vmem_shared>>) target(%arg11 : memref<48x128xf32, #tpu.memory_space<vmem>>) target_semaphore(%run_scoped3A : memref<!tpu.dma_semaphore, #tpu.memory_space<semaphore_mem>>)
      %dma_wait3A_211 = arith.constant 0 : i32
      %dma_wait3A_212 = tpu.memref_slice %arg14[%add3A_196, %dma_wait3A_211] : memref<10000x128xf32, #tpu.memory_space<vmem_shared>> -> memref<48x128xf32, #tpu.memory_space<vmem_shared>>
      %dma_wait3A_213 = arith.constant 0 : i32
      %dma_wait3A_214 = tpu.memref_slice %arg14[%add3A_196, %dma_wait3A_213] : memref<10000x128xf32, #tpu.memory_space<vmem_shared>> -> memref<48x128xf32, #tpu.memory_space<vmem_shared>>
      tpu.wait_dma2 semaphore(%run_scoped3A : memref<!tpu.dma_semaphore, #tpu.memory_space<semaphore_mem>>) src(%dma_wait3A_214 : memref<48x128xf32, #tpu.memory_space<vmem_shared>>) dst(%arg11 : memref<48x128xf32, #tpu.memory_space<vmem>>)
      tpu.yield
    }) : () -> ()
    "tpu.region"() ({
      %run_scoped3A = tpu.sem_alloc : memref<!tpu.dma_semaphore, #tpu.memory_space<semaphore_mem>>
      %dma_start3A_207 = arith.constant 0 : i32
      %dma_start3A_208 = tpu.memref_slice %arg7[%add3A_196, %dma_start3A_207] : memref<10000x128xf32, #tpu.memory_space<hbm>> -> memref<48x128xf32, #tpu.memory_space<hbm>>
      %dma_start3A_209 = arith.constant 0 : i32
      %dma_start3A_210 = tpu.memref_slice %arg7[%add3A_196, %dma_start3A_209] : memref<10000x128xf32, #tpu.memory_space<hbm>> -> memref<48x128xf32, #tpu.memory_space<hbm>>
      tpu.enqueue_dma source(%arg11 : memref<48x128xf32, #tpu.memory_space<vmem>>) target(%dma_start3A_210 : memref<48x128xf32, #tpu.memory_space<hbm>>) target_semaphore(%run_scoped3A : memref<!tpu.dma_semaphore, #tpu.memory_space<semaphore_mem>>)
      %dma_wait3A_211 = arith.constant 0 : i32
      %dma_wait3A_212 = tpu.memref_slice %arg7[%add3A_196, %dma_wait3A_211] : memref<10000x128xf32, #tpu.memory_space<hbm>> -> memref<48x128xf32, #tpu.memory_space<hbm>>
      %dma_wait3A_213 = arith.constant 0 : i32
      %dma_wait3A_214 = tpu.memref_slice %arg7[%add3A_196, %dma_wait3A_213] : memref<10000x128xf32, #tpu.memory_space<hbm>> -> memref<48x128xf32, #tpu.memory_space<hbm>>
      tpu.wait_dma2 semaphore(%run_scoped3A : memref<!tpu.dma_semaphore, #tpu.memory_space<semaphore_mem>>) src(%arg11 : memref<48x128xf32, #tpu.memory_space<vmem>>) dst(%dma_wait3A_214 : memref<48x128xf32, #tpu.memory_space<hbm>>)
      tpu.yield
    }) : () -> ()
    %eq3A_197 = arith.constant 15 : i32
    %eq3A_198 = arith.cmpi eq, %arg1, %eq3A_197 : i32
    %convert_element_type3A_199 = arith.extui %eq3A_198 : i1 to i32
    %cond3A_200 = arith.constant 0 : i32
    %cond3A_201 = arith.cmpi ne, %convert_element_type3A_199, %cond3A_200 : i32
    scf.if %cond3A_201 {
      "tpu.region"() ({
        %run_scoped3A = tpu.sem_alloc : memref<!tpu.dma_semaphore, #tpu.memory_space<semaphore_mem>>
        %dma_start3A_207 = arith.constant 0 : i32
        %dma_start3A_208 = arith.constant 0 : i32
        %dma_start3A_209 = tpu.memref_slice %arg11[%dma_start3A_207, %dma_start3A_208] : memref<48x128xf32, #tpu.memory_space<vmem>> -> memref<16x128xf32, #tpu.memory_space<vmem>>
        %dma_start3A_210 = arith.constant 9984 : i32
        %dma_start3A_211 = arith.constant 0 : i32
        %dma_start3A_212 = tpu.memref_slice %arg14[%dma_start3A_210, %dma_start3A_211] : memref<10000x128xf32, #tpu.memory_space<vmem_shared>> -> memref<16x128xf32, #tpu.memory_space<vmem_shared>>
        %dma_start3A_213 = arith.constant 0 : i32
        %dma_start3A_214 = arith.constant 0 : i32
        %dma_start3A_215 = tpu.memref_slice %arg11[%dma_start3A_213, %dma_start3A_214] : memref<48x128xf32, #tpu.memory_space<vmem>> -> memref<16x128xf32, #tpu.memory_space<vmem>>
        %dma_start3A_216 = arith.constant 9984 : i32
        %dma_start3A_217 = arith.constant 0 : i32
        %dma_start3A_218 = tpu.memref_slice %arg14[%dma_start3A_216, %dma_start3A_217] : memref<10000x128xf32, #tpu.memory_space<vmem_shared>> -> memref<16x128xf32, #tpu.memory_space<vmem_shared>>
        tpu.enqueue_dma source(%dma_start3A_218 : memref<16x128xf32, #tpu.memory_space<vmem_shared>>) target(%dma_start3A_215 : memref<16x128xf32, #tpu.memory_space<vmem>>) target_semaphore(%run_scoped3A : memref<!tpu.dma_semaphore, #tpu.memory_space<semaphore_mem>>)
        %dma_wait3A_219 = arith.constant 0 : i32
        %dma_wait3A_220 = arith.constant 0 : i32
        %dma_wait3A_221 = tpu.memref_slice %arg11[%dma_wait3A_219, %dma_wait3A_220] : memref<48x128xf32, #tpu.memory_space<vmem>> -> memref<16x128xf32, #tpu.memory_space<vmem>>
        %dma_wait3A_222 = arith.constant 9984 : i32
        %dma_wait3A_223 = arith.constant 0 : i32
        %dma_wait3A_224 = tpu.memref_slice %arg14[%dma_wait3A_222, %dma_wait3A_223] : memref<10000x128xf32, #tpu.memory_space<vmem_shared>> -> memref<16x128xf32, #tpu.memory_space<vmem_shared>>
        %dma_wait3A_225 = arith.constant 0 : i32
        %dma_wait3A_226 = arith.constant 0 : i32
        %dma_wait3A_227 = tpu.memref_slice %arg11[%dma_wait3A_225, %dma_wait3A_226] : memref<48x128xf32, #tpu.memory_space<vmem>> -> memref<16x128xf32, #tpu.memory_space<vmem>>
        %dma_wait3A_228 = arith.constant 9984 : i32
        %dma_wait3A_229 = arith.constant 0 : i32
        %dma_wait3A_230 = tpu.memref_slice %arg14[%dma_wait3A_228, %dma_wait3A_229] : memref<10000x128xf32, #tpu.memory_space<vmem_shared>> -> memref<16x128xf32, #tpu.memory_space<vmem_shared>>
        tpu.wait_dma2 semaphore(%run_scoped3A : memref<!tpu.dma_semaphore, #tpu.memory_space<semaphore_mem>>) src(%dma_wait3A_230 : memref<16x128xf32, #tpu.memory_space<vmem_shared>>) dst(%dma_wait3A_227 : memref<16x128xf32, #tpu.memory_space<vmem>>)
        tpu.yield
      }) : () -> ()
      "tpu.region"() ({
        %run_scoped3A = tpu.sem_alloc : memref<!tpu.dma_semaphore, #tpu.memory_space<semaphore_mem>>
        %dma_start3A_207 = arith.constant 0 : i32
        %dma_start3A_208 = arith.constant 0 : i32
        %dma_start3A_209 = tpu.memref_slice %arg11[%dma_start3A_207, %dma_start3A_208] : memref<48x128xf32, #tpu.memory_space<vmem>> -> memref<16x128xf32, #tpu.memory_space<vmem>>
        %dma_start3A_210 = arith.constant 9984 : i32
        %dma_start3A_211 = arith.constant 0 : i32
        %dma_start3A_212 = tpu.memref_slice %arg7[%dma_start3A_210, %dma_start3A_211] : memref<10000x128xf32, #tpu.memory_space<hbm>> -> memref<16x128xf32, #tpu.memory_space<hbm>>
        %dma_start3A_213 = arith.constant 9984 : i32
        %dma_start3A_214 = arith.constant 0 : i32
        %dma_start3A_215 = tpu.memref_slice %arg7[%dma_start3A_213, %dma_start3A_214] : memref<10000x128xf32, #tpu.memory_space<hbm>> -> memref<16x128xf32, #tpu.memory_space<hbm>>
        %dma_start3A_216 = arith.constant 0 : i32
        %dma_start3A_217 = arith.constant 0 : i32
        %dma_start3A_218 = tpu.memref_slice %arg11[%dma_start3A_216, %dma_start3A_217] : memref<48x128xf32, #tpu.memory_space<vmem>> -> memref<16x128xf32, #tpu.memory_space<vmem>>
        tpu.enqueue_dma source(%dma_start3A_218 : memref<16x128xf32, #tpu.memory_space<vmem>>) target(%dma_start3A_215 : memref<16x128xf32, #tpu.memory_space<hbm>>) target_semaphore(%run_scoped3A : memref<!tpu.dma_semaphore, #tpu.memory_space<semaphore_mem>>)
        %dma_wait3A_219 = arith.constant 0 : i32
        %dma_wait3A_220 = arith.constant 0 : i32
        %dma_wait3A_221 = tpu.memref_slice %arg11[%dma_wait3A_219, %dma_wait3A_220] : memref<48x128xf32, #tpu.memory_space<vmem>> -> memref<16x128xf32, #tpu.memory_space<vmem>>
        %dma_wait3A_222 = arith.constant 9984 : i32
        %dma_wait3A_223 = arith.constant 0 : i32
        %dma_wait3A_224 = tpu.memref_slice %arg7[%dma_wait3A_222, %dma_wait3A_223] : memref<10000x128xf32, #tpu.memory_space<hbm>> -> memref<16x128xf32, #tpu.memory_space<hbm>>
        %dma_wait3A_225 = arith.constant 9984 : i32
        %dma_wait3A_226 = arith.constant 0 : i32
        %dma_wait3A_227 = tpu.memref_slice %arg7[%dma_wait3A_225, %dma_wait3A_226] : memref<10000x128xf32, #tpu.memory_space<hbm>> -> memref<16x128xf32, #tpu.memory_space<hbm>>
        %dma_wait3A_228 = arith.constant 0 : i32
        %dma_wait3A_229 = arith.constant 0 : i32
        %dma_wait3A_230 = tpu.memref_slice %arg11[%dma_wait3A_228, %dma_wait3A_229] : memref<48x128xf32, #tpu.memory_space<vmem>> -> memref<16x128xf32, #tpu.memory_space<vmem>>
        tpu.wait_dma2 semaphore(%run_scoped3A : memref<!tpu.dma_semaphore, #tpu.memory_space<semaphore_mem>>) src(%dma_wait3A_230 : memref<16x128xf32, #tpu.memory_space<vmem>>) dst(%dma_wait3A_227 : memref<16x128xf32, #tpu.memory_space<hbm>>)
        tpu.yield
      }) : () -> ()
    } else {
    }
    "tpu.region"() ({
      %run_scoped3A = tpu.sem_alloc : memref<!tpu.dma_semaphore, #tpu.memory_space<semaphore_mem>>
      %dma_start3A_207 = tpu.memref_slice %arg15[%mul3A_0] : memref<10000xf32, #tpu.memory_space<vmem_shared>> -> memref<624xf32, #tpu.memory_space<vmem_shared>>
      %dma_start3A_208 = tpu.memref_slice %arg15[%mul3A_0] : memref<10000xf32, #tpu.memory_space<vmem_shared>> -> memref<624xf32, #tpu.memory_space<vmem_shared>>
      tpu.enqueue_dma source(%dma_start3A_208 : memref<624xf32, #tpu.memory_space<vmem_shared>>) target(%arg13 : memref<624xf32, #tpu.memory_space<vmem>>) target_semaphore(%run_scoped3A : memref<!tpu.dma_semaphore, #tpu.memory_space<semaphore_mem>>)
      %dma_wait3A_209 = tpu.memref_slice %arg15[%mul3A_0] : memref<10000xf32, #tpu.memory_space<vmem_shared>> -> memref<624xf32, #tpu.memory_space<vmem_shared>>
      %dma_wait3A_210 = tpu.memref_slice %arg15[%mul3A_0] : memref<10000xf32, #tpu.memory_space<vmem_shared>> -> memref<624xf32, #tpu.memory_space<vmem_shared>>
      tpu.wait_dma2 semaphore(%run_scoped3A : memref<!tpu.dma_semaphore, #tpu.memory_space<semaphore_mem>>) src(%dma_wait3A_210 : memref<624xf32, #tpu.memory_space<vmem_shared>>) dst(%arg13 : memref<624xf32, #tpu.memory_space<vmem>>)
      tpu.yield
    }) : () -> ()
    "tpu.region"() ({
      %run_scoped3A = tpu.sem_alloc : memref<!tpu.dma_semaphore, #tpu.memory_space<semaphore_mem>>
      %dma_start3A_207 = tpu.memref_slice %arg8[%mul3A_0] : memref<10000xf32, #tpu.memory_space<hbm>> -> memref<624xf32, #tpu.memory_space<hbm>>
      %dma_start3A_208 = tpu.memref_slice %arg8[%mul3A_0] : memref<10000xf32, #tpu.memory_space<hbm>> -> memref<624xf32, #tpu.memory_space<hbm>>
      tpu.enqueue_dma source(%arg13 : memref<624xf32, #tpu.memory_space<vmem>>) target(%dma_start3A_208 : memref<624xf32, #tpu.memory_space<hbm>>) target_semaphore(%run_scoped3A : memref<!tpu.dma_semaphore, #tpu.memory_space<semaphore_mem>>)
      %dma_wait3A_209 = tpu.memref_slice %arg8[%mul3A_0] : memref<10000xf32, #tpu.memory_space<hbm>> -> memref<624xf32, #tpu.memory_space<hbm>>
      %dma_wait3A_210 = tpu.memref_slice %arg8[%mul3A_0] : memref<10000xf32, #tpu.memory_space<hbm>> -> memref<624xf32, #tpu.memory_space<hbm>>
      tpu.wait_dma2 semaphore(%run_scoped3A : memref<!tpu.dma_semaphore, #tpu.memory_space<semaphore_mem>>) src(%arg13 : memref<624xf32, #tpu.memory_space<vmem>>) dst(%dma_wait3A_210 : memref<624xf32, #tpu.memory_space<hbm>>)
      tpu.yield
    }) : () -> ()
    %eq3A_202 = arith.constant 15 : i32
    %eq3A_203 = arith.cmpi eq, %arg1, %eq3A_202 : i32
    %convert_element_type3A_204 = arith.extui %eq3A_203 : i1 to i32
    %cond3A_205 = arith.constant 0 : i32
    %cond3A_206 = arith.cmpi ne, %convert_element_type3A_204, %cond3A_205 : i32
    scf.if %cond3A_206 {
      "tpu.region"() ({
        %run_scoped3A = tpu.sem_alloc : memref<!tpu.dma_semaphore, #tpu.memory_space<semaphore_mem>>
        %dma_start3A_207 = arith.constant 0 : i32
        %dma_start3A_208 = tpu.memref_slice %arg13[%dma_start3A_207] : memref<624xf32, #tpu.memory_space<vmem>> -> memref<16xf32, #tpu.memory_space<vmem>>
        %dma_start3A_209 = arith.constant 9984 : i32
        %dma_start3A_210 = tpu.memref_slice %arg15[%dma_start3A_209] : memref<10000xf32, #tpu.memory_space<vmem_shared>> -> memref<16xf32, #tpu.memory_space<vmem_shared>>
        %dma_start3A_211 = arith.constant 0 : i32
        %dma_start3A_212 = tpu.memref_slice %arg13[%dma_start3A_211] : memref<624xf32, #tpu.memory_space<vmem>> -> memref<16xf32, #tpu.memory_space<vmem>>
        %dma_start3A_213 = arith.constant 9984 : i32
        %dma_start3A_214 = tpu.memref_slice %arg15[%dma_start3A_213] : memref<10000xf32, #tpu.memory_space<vmem_shared>> -> memref<16xf32, #tpu.memory_space<vmem_shared>>
        tpu.enqueue_dma source(%dma_start3A_214 : memref<16xf32, #tpu.memory_space<vmem_shared>>) target(%dma_start3A_212 : memref<16xf32, #tpu.memory_space<vmem>>) target_semaphore(%run_scoped3A : memref<!tpu.dma_semaphore, #tpu.memory_space<semaphore_mem>>)
        %dma_wait3A_215 = arith.constant 0 : i32
        %dma_wait3A_216 = tpu.memref_slice %arg13[%dma_wait3A_215] : memref<624xf32, #tpu.memory_space<vmem>> -> memref<16xf32, #tpu.memory_space<vmem>>
        %dma_wait3A_217 = arith.constant 9984 : i32
        %dma_wait3A_218 = tpu.memref_slice %arg15[%dma_wait3A_217] : memref<10000xf32, #tpu.memory_space<vmem_shared>> -> memref<16xf32, #tpu.memory_space<vmem_shared>>
        %dma_wait3A_219 = arith.constant 0 : i32
        %dma_wait3A_220 = tpu.memref_slice %arg13[%dma_wait3A_219] : memref<624xf32, #tpu.memory_space<vmem>> -> memref<16xf32, #tpu.memory_space<vmem>>
        %dma_wait3A_221 = arith.constant 9984 : i32
        %dma_wait3A_222 = tpu.memref_slice %arg15[%dma_wait3A_221] : memref<10000xf32, #tpu.memory_space<vmem_shared>> -> memref<16xf32, #tpu.memory_space<vmem_shared>>
        tpu.wait_dma2 semaphore(%run_scoped3A : memref<!tpu.dma_semaphore, #tpu.memory_space<semaphore_mem>>) src(%dma_wait3A_222 : memref<16xf32, #tpu.memory_space<vmem_shared>>) dst(%dma_wait3A_220 : memref<16xf32, #tpu.memory_space<vmem>>)
        tpu.yield
      }) : () -> ()
      "tpu.region"() ({
        %run_scoped3A = tpu.sem_alloc : memref<!tpu.dma_semaphore, #tpu.memory_space<semaphore_mem>>
        %dma_start3A_207 = arith.constant 0 : i32
        %dma_start3A_208 = tpu.memref_slice %arg13[%dma_start3A_207] : memref<624xf32, #tpu.memory_space<vmem>> -> memref<16xf32, #tpu.memory_space<vmem>>
        %dma_start3A_209 = arith.constant 9984 : i32
        %dma_start3A_210 = tpu.memref_slice %arg8[%dma_start3A_209] : memref<10000xf32, #tpu.memory_space<hbm>> -> memref<16xf32, #tpu.memory_space<hbm>>
        %dma_start3A_211 = arith.constant 9984 : i32
        %dma_start3A_212 = tpu.memref_slice %arg8[%dma_start3A_211] : memref<10000xf32, #tpu.memory_space<hbm>> -> memref<16xf32, #tpu.memory_space<hbm>>
        %dma_start3A_213 = arith.constant 0 : i32
        %dma_start3A_214 = tpu.memref_slice %arg13[%dma_start3A_213] : memref<624xf32, #tpu.memory_space<vmem>> -> memref<16xf32, #tpu.memory_space<vmem>>
        tpu.enqueue_dma source(%dma_start3A_214 : memref<16xf32, #tpu.memory_space<vmem>>) target(%dma_start3A_212 : memref<16xf32, #tpu.memory_space<hbm>>) target_semaphore(%run_scoped3A : memref<!tpu.dma_semaphore, #tpu.memory_space<semaphore_mem>>)
        %dma_wait3A_215 = arith.constant 0 : i32
        %dma_wait3A_216 = tpu.memref_slice %arg13[%dma_wait3A_215] : memref<624xf32, #tpu.memory_space<vmem>> -> memref<16xf32, #tpu.memory_space<vmem>>
        %dma_wait3A_217 = arith.constant 9984 : i32
        %dma_wait3A_218 = tpu.memref_slice %arg8[%dma_wait3A_217] : memref<10000xf32, #tpu.memory_space<hbm>> -> memref<16xf32, #tpu.memory_space<hbm>>
        %dma_wait3A_219 = arith.constant 9984 : i32
        %dma_wait3A_220 = tpu.memref_slice %arg8[%dma_wait3A_219] : memref<10000xf32, #tpu.memory_space<hbm>> -> memref<16xf32, #tpu.memory_space<hbm>>
        %dma_wait3A_221 = arith.constant 0 : i32
        %dma_wait3A_222 = tpu.memref_slice %arg13[%dma_wait3A_221] : memref<624xf32, #tpu.memory_space<vmem>> -> memref<16xf32, #tpu.memory_space<vmem>>
        tpu.wait_dma2 semaphore(%run_scoped3A : memref<!tpu.dma_semaphore, #tpu.memory_space<semaphore_mem>>) src(%dma_wait3A_222 : memref<16xf32, #tpu.memory_space<vmem>>) dst(%dma_wait3A_220 : memref<16xf32, #tpu.memory_space<hbm>>)
        tpu.yield
      }) : () -> ()
    } else {
    }
    return
  }
}

module attributes {stable_mosaic.version = 14 : i64} {
  func.func @_tc_body(%arg0: i32, %arg1: memref<1000x128xf32, #tpu.memory_space<vmem>>, %arg2: memref<1000x128xf32, #tpu.memory_space<vmem>>, %arg3: memref<1000x1xf32, #tpu.memory_space<vmem>>, %arg4: memref<128x128xf32, #tpu.memory_space<vmem>>, %arg5: memref<1000x128xf32, #tpu.memory_space<vmem>>) attributes {dimension_semantics = [#tpu.dimension_semantics<arbitrary>], iteration_bounds = array<i64: 10>, scalar_prefetch = 0 : i64, scratch_operands = 0 : i64, tpu.core_type = #tpu.core_type<tc>, window_params = [{transform_indices = @transform_0, window_bounds = array<i64: 1000, 128>}, {transform_indices = @transform_1, window_bounds = array<i64: 1000, 128>}, {transform_indices = @transform_2, window_bounds = array<i64: 1000, 1>}, {pipeline_mode = #tpu.pipeline_mode<synchronous>, transform_indices = @transform_3, window_bounds = array<i64: 128, 128>}, {transform_indices = @transform_4, window_bounds = array<i64: 1000, 128>}]} {
    %get3A = arith.constant 0 : index
    %get3A_0 = arith.constant 0 : index
    %get3A_1 = vector.load %arg3[%get3A, %get3A_0] : memref<1000x1xf32, #tpu.memory_space<vmem>>, vector<1000x1xf32>
    %get3A_2 = arith.constant 0 : index
    %get3A_3 = arith.constant 0 : index
    %get3A_4 = vector.load %arg1[%get3A_2, %get3A_3] : memref<1000x128xf32, #tpu.memory_space<vmem>>, vector<1000x128xf32>
    %get3A_5 = arith.constant 0 : index
    %get3A_6 = arith.constant 0 : index
    %get3A_7 = vector.load %arg2[%get3A_5, %get3A_6] : memref<1000x128xf32, #tpu.memory_space<vmem>>, vector<1000x128xf32>
    %add3A = arith.addf %get3A_4, %get3A_7 : vector<1000x128xf32>
    %add3A_8 = arith.constant 1.000000e+00 : f32
    %add3A_9 = vector.broadcast %add3A_8 : f32 to vector<1000x1xf32>
    %add3A_10 = arith.addf %get3A_1, %add3A_9 : vector<1000x1xf32>
    %div3A = vector.broadcast %add3A_10 : vector<1000x1xf32> to vector<1000x128xf32>
    %div3A_11 = arith.divf %add3A, %div3A : vector<1000x128xf32>
    %get3A_12 = arith.constant 0 : index
    %get3A_13 = arith.constant 0 : index
    %get3A_14 = vector.load %arg4[%get3A_12, %get3A_13] : memref<128x128xf32, #tpu.memory_space<vmem>>, vector<128x128xf32>
    %dot_general3A = arith.constant dense<0.000000e+00> : vector<1000x128xf32>
    %dot_general3A_15 = tpu.matmul %div3A_11, %get3A_14, %dot_general3A {dimension_numbers = #tpu.dot_dimension_numbers<[1], [0], [0], [1], [0, 0, 1, 1], [], []>, transpose_lhs_hint = false} : vector<1000x128xf32>, vector<128x128xf32>, vector<1000x128xf32> -> vector<1000x128xf32>
    %swap3A = arith.constant 0 : index
    %swap3A_16 = arith.constant 0 : index
    %swap3A_17 = vector.load %arg5[%swap3A, %swap3A_16] : memref<1000x128xf32, #tpu.memory_space<vmem>>, vector<1000x128xf32>
    tpu.vector_store %arg5[%swap3A, %swap3A_16], %dot_general3A_15 {strides = array<i32>} : memref<1000x128xf32, #tpu.memory_space<vmem>>, vector<1000x128xf32>,
    return
  }
  func.func @transform_0(%arg0: i32) -> (i32, i32) {
    %c0_i32 = arith.constant 0 : i32
    %c0_i32_0 = arith.constant 0 : i32
    return %arg0, %c0_i32 : i32, i32
  }
  func.func @transform_1(%arg0: i32) -> (i32, i32) {
    %c0_i32 = arith.constant 0 : i32
    %c0_i32_0 = arith.constant 0 : i32
    return %arg0, %c0_i32 : i32, i32
  }
  func.func @transform_2(%arg0: i32) -> (i32, i32) {
    %c0_i32 = arith.constant 0 : i32
    %c0_i32_0 = arith.constant 0 : i32
    return %arg0, %c0_i32 : i32, i32
  }
  func.func @transform_3(%arg0: i32) -> (i32, i32) {
    %c0_i32 = arith.constant 0 : i32
    %c0_i32_0 = arith.constant 0 : i32
    %c0_i32_1 = arith.constant 0 : i32
    return %c0_i32, %c0_i32_0 : i32, i32
  }
  func.func @transform_4(%arg0: i32) -> (i32, i32) {
    %c0_i32 = arith.constant 0 : i32
    %c0_i32_0 = arith.constant 0 : i32
    return %arg0, %c0_i32 : i32, i32
  }
}

</mosaic_0001>

<sc_bundles>
// kernel: kernel.4.cloned.1.call-start
scs
__scs_entry_jumppad:
0x0: {  	(pc) =	sbr.rel $0x88, $3  }
0x1: {  	(tag) =	ssettag $0x0;
	lr =	simm.s32 $0x1  }
0x2: {  	[smem:$0x3F9D] =	sst lr;
	_ =	strace $0xD0000000  }
0x3: {  	_ = 	snop  }
0x4: {  	_ = 	snop  }
0x5: {  	_ = 	snop  }
0x6: {  	_ = 	snop  }
0x7: {  	_ = 	snop  }
__scs_overlays_trampoline_lowered:
0x8: {  	[smem:$0x3FAC] =	sst s0  }
0x9: {  	[smem:$0x3FAD] =	sst s1  }
0xa: {  	[smem:$0x3FAE] =	sst s2  }
0xb: {  	[smem:$0x3FAF] =	sst s3  }
0xc: {  	[smem:$0x3FB0] =	sst s4  }
0xd: {  	[smem:$0x3FB1] =	sst s5  }
0xe: {  	[smem:$0x3FB2] =	sst s6  }
0xf: {  	[smem:$0x3FB3] =	sst s7  }
0x10: {  	[smem:$0x3FB4] =	sst s8  }
0x11: {  	[smem:$0x3FB5] =	sst s9;
	s0 =	simm.s32 @!p0 $0x0  }
0x12: {  	s1 =	sld [smem:$0x3F9B];
	s0 =	simm.s32 @p0 $0x1  }
0x13: {  	[smem:$0x3FB6] =	sst s0;
	s0 =	simm.s32 @!p1 $0x0  }
0x14: {  	s2 =	sld [smem:$0x3F9A];
	s0 =	simm.s32 @p1 $0x1  }
0x15: {  	[smem:$0x3FB7] =	sst s0;
	s0 =	simm.s32 @!p2 $0x0  }
0x16: {  	s3 =	sld [smem:$0x3FDB];
	s0 =	simm.s32 @p2 $0x1  }
0x17: {  	s4 =	simm.s32 $0x1BF5;
	[smem:$0x3FB9] =	sst s0  }
0x18: {  	s0 =	sld [smem:$0x3F9C];
	_ =	swait.ge [sflag:s4], $0x0  }
0x19: {  	s7 =	sld [smem:$0x3F9D]  }
0x1a: {  	s8 =	sadd.s32 $0xFFFFE003, lr  }
0x1b: {  	s9 =	sadd.s32 $0xFFFFFEF7, lr;
	s5 =	simm.s32 $0xFFFFFFFF;
	p2 =	slt.u32 s8, $0xFFFFF086  }
0x1c: {  	p1 =	slt.u32 s9, $0xF7A;
	s5 =	simm.s32 @!p2 $0x0  }
0x1d: {  	s5 =	simm.s32 @p1 $0x1;
	p0 =	seq.s32 s7, s2  }
0x1e: {  	s7 =	smul.u32 @!p0 $0xF7A, s2;
	p2 =	seq.s32 @!p0 s5, $0x0  }
0x1f: {  	s9 =	smul.u32 $0xF7A, s1;
	s8 =	simm.s32 @!p0 $0x1BF5;
	p2 =	por !p2, p0  }
0x20: {  	[sflag:s8] =	ssyncset.s32 @!p0 $0xFFFFF086;
	s6 =	sadd.s32 @!p0 s3, s7;
	s7 =	simm.s32 @!p0 $0x108  }
0x21: {  	s3 =	sadd.s32 s3, s9;
	s6 =	sadd.s32 @!p0 $0x88, s6;
	s7 =	simm.s32 @p2 $0x1082  }
0x22: {  	[simem:s7], [sflag:s8] =	dma.local @!p0 [hbm:s6], $0xF7A  }
0x23: {  	s9 =	sor.u32 $0xD0000000, s2;
	s6 =	simm.s32 $0x108;
	_ =	swait.ge @!p0 [sflag:s8], $0x0  }
0x24: {  	s3 =	sadd.s32 $0x88, s3;
	s6 =	simm.s32 @!p1 $0x1082;
	[sflag:s4] =	ssyncset.s32 $0xFFFFF086  }
0x25: {  	[simem:s6], [sflag:s4] =	dma.local [hbm:s3], $0xF7A  }
0x26: {  	[smem:$0x3F9D] =	sst s1;
	(tag) =	ssettag s2;
	_ =	strace s9  }
0x27: {  	s1 =	sld [smem:$0x3FAD]  }
0x28: {  	s2 =	sld [smem:$0x3FAE]  }
0x29: {  	s4 =	sld [smem:$0x3FB0]  }
0x2a: {  	p0 =	seq.s32 s5, $0x0;
	s5 =	sld [smem:$0x3FB1]  }
0x2b: {  	s6 =	sld [smem:$0x3FB2]  }
0x2c: {  	s7 =	sld [smem:$0x3FB3]  }
0x2d: {  	s3 =	simm.s32 $0x108;
	s8 =	sld [smem:$0x3FB4]  }
0x2e: {  	s3 =	simm.s32 @!p0 $0x1082;
	s9 =	sld [smem:$0x3FB5]  }
0x2f: {  	lr =	sadd.s32 s0, s3;
	s0 =	sld [smem:$0x3FAC]  }
0x30: {  	s3 =	sld [smem:$0x3FAF]  }
0x31: {  	[smem:$0x3FB8] =	sst s10  }
0x32: {  	s10 =	sld [smem:$0x3FB6];
	_ =	sdelay $0x3  }
0x33: {  	p0 =	seq.s32 s10, $0x1;
	s10 =	sld [smem:$0x3FB8];
	_ =	sdelay $0x3  }
0x34: {  	[smem:$0x3FB8] =	sst s10  }
0x35: {  	s10 =	sld [smem:$0x3FB7];
	_ =	sdelay $0x3  }
0x36: {  	p1 =	seq.s32 s10, $0x1;
	s10 =	sld [smem:$0x3FB8];
	_ =	sdelay $0x3  }
0x37: {  	[smem:$0x3FB8] =	sst s10  }
0x38: {  	s10 =	sld [smem:$0x3FB9]  }
0x39: {  	_ = 	snop;
	(pc) =	sbr.ind lr, $3  }
0x3a: {  	_ = 	snop  }
0x3b: {  	_ = 	snop  }
0x3c: {  	p2 =	seq.s32 s10, $0x1;
	s10 =	sld [smem:$0x3FB8]  }
0x3d: {  	_ =	shalt  }
0x3e: {  	_ =	shalt  }
0x3f: {  	_ =	shalt  }
0x40: {  	_ =	shalt  }
0x41: {  	_ =	shalt  }
0x42: {  	_ =	shalt  }
0x43: {  	_ =	shalt  }
0x44: {  	_ =	shalt  }
0x45: {  	_ =	shalt  }
0x46: {  	_ =	shalt  }
0x47: {  	_ =	shalt  }
0x48: {  	_ =	shalt  }
0x49: {  	_ =	shalt  }
0x4a: {  	_ =	shalt  }
0x4b: {  	_ =	shalt  }
0x4c: {  	_ =	shalt  }
0x4d: {  	_ =	shalt  }
0x4e: {  	_ =	shalt  }
0x4f: {  	_ =	shalt  }
0x50: {  	_ =	shalt  }
0x51: {  	_ =	shalt  }
0x52: {  	_ =	shalt  }
0x53: {  	_ =	shalt  }
0x54: {  	_ =	shalt  }
0x55: {  	_ =	shalt  }
0x56: {  	_ =	shalt  }
0x57: {  	_ =	shalt  }
0x58: {  	_ =	shalt  }
0x59: {  	_ =	shalt  }
0x5a: {  	_ =	shalt  }
0x5b: {  	_ =	shalt  }
0x5c: {  	_ =	shalt  }
0x5d: {  	_ =	shalt  }
0x5e: {  	_ =	shalt  }
0x5f: {  	_ =	shalt  }
0x60: {  	_ =	shalt  }
0x61: {  	_ =	shalt  }
0x62: {  	_ =	shalt  }
0x63: {  	_ =	shalt  }
0x64: {  	_ =	shalt  }
0x65: {  	_ =	shalt  }
0x66: {  	_ =	shalt  }
0x67: {  	_ =	shalt  }
0x68: {  	_ =	shalt  }
0x69: {  	_ =	shalt  }
0x6a: {  	_ =	shalt  }
0x6b: {  	_ =	shalt  }
0x6c: {  	_ =	shalt  }
0x6d: {  	_ =	shalt  }
0x6e: {  	_ =	shalt  }
0x6f: {  	_ =	shalt  }
0x70: {  	_ =	shalt  }
0x71: {  	_ =	shalt  }
0x72: {  	_ =	shalt  }
0x73: {  	_ =	shalt  }
0x74: {  	_ =	shalt  }
0x75: {  	_ =	shalt  }
0x76: {  	_ =	shalt  }
0x77: {  	_ =	shalt  }
0x78: {  	_ =	shalt  }
0x79: {  	_ =	shalt  }
0x7a: {  	_ =	shalt  }
0x7b: {  	_ =	shalt  }
0x7c: {  	_ =	shalt  }
0x7d: {  	_ =	shalt  }
0x7e: {  	_ =	shalt  }
0x7f: {  	_ =	shalt  }
0x80: {  	_ =	shalt  }
0x81: {  	_ =	shalt  }
0x82: {  	_ =	shalt  }
0x83: {  	_ =	shalt  }
0x84: {  	_ =	shalt  }
0x85: {  	_ =	shalt  }
0x86: {  	_ =	shalt  }
0x87: {  	_ =	shalt  }
.Lfunc_end0:
.L_simem_size_0:
called_computation_lowered:
.L_overlay_start_0:
0x88: {  	s0 =	sld [smem:$0x3FD9]  }
0x89: {  	s1 =	sld [smem:$0x3FFE];
	_ =	sdelay $0x3  }
0x8a: {  	s0 =	sadd.s32 s1, s0  }
0x8b: {  	[smem:$0x3FC4] =	sst s0  }
0x8c: {  	_ = 	snop  }
0x8d: {  	s0 =	sld [smem:$0x3FC8]  }
0x8e: {  	s16 =	sld [smem:$0x3FC7]  }
0x8f: {  	s2 =	sld [smem:$0x3FD0];
	(tm) =	ssettm $0x1  }
0x90: {  	s3 =	sld [smem:$0x3FFB];
	_ =	sdelay $0x3  }
0x91: {  	_ =	strace s3  }
0x92: {  	s3 =	sld [smem:$0x3FFC];
	_ =	sdelay $0x3  }
0x93: {  	_ =	strace s3  }
0x94: {  	s3 =	sld [smem:$0x3FFD];
	_ =	sdelay $0x3  }
0x95: {  	_ =	strace s3  }
0x96: {  	_ =	strace $0x8FFFFFFF  }
0x97: {  	s17 =	sld [smem:$0x3FDB];
	_ =	sdelay $0x1  }
0x98: {  	s4 =	simm.s32 $_scs_section_size  }
0x99: {  	s5 =	simm.s32 $_size__tile_overlayer_lowered;
	s6 =	simm.s32 $_tile_overlayer_lowered  }
0x9a: {  	s20 =	simm.s32 $0x1BFF;
	s19 =	sshll.u32 s6, $0x1;
	s3 =	sadd.s32 s4, s17  }
0x9b: {  	s7 =	simm.s32 $0x0;
	s18 =	sshll.u32 s5, $0x1;
	s5 =	sadd.s32 s19, s3  }
0x9c: {  	[timem:s7], [sflag:s20] =	dma.local [hbm:s5], s18  }
0x9d: {  	_ =	swait.ge [sflag:s20], s18  }
0x9e: {  	s4 =	ssub.s32 $0x0, s18;
	[sflag:s20] =	ssyncset.done $0x0  }
0x9f: {  	[sflag:s20] =	ssyncadd.s32 s4;
	_ =	sdelay $0x1  }
0xa0: {  	s21 =	simm.s32 $0x1B8B  }
0xa1: {  	_ =	swait.ge [sflag:s21], $0x1  }
0xa2: {  	[sflag:s21] =	ssyncset.done $0x0  }
0xa3: {  	s23 =	simm.s32 $0x1B8E;
	s22 =	sld [smem:$0x3FFE];
	[sflag:s21] =	ssyncadd.s32 $0xFFFFFFFF  }
0xa4: {  	s24 =	simm.s32 $execute0_lowered;
	[smem:$0x3FD2] =	sst s23  }
0xa5: {  	s5 =	sshll.u32 s24, $0x1;
	_ =	strace $0x80000046;
	[dreg:$0x1] =	wrdreg $0xFFFFFFFF  }
0xa6: {  	s25 =	simm.s32 $_size_execute0_lowered;
	s3 =	sadd.s32 s3, s5;
	[dreg:$0x0] =	wrdreg $0x0  }
0xa7: {  	s5 =	sshll.u32 s25, $0x1;
	[dreg:$0x2] =	wrdreg s3  }
0xa8: {  	[dreg:$0x3] =	wrdreg s5  }
0xa9: {  	[dreg:$0x4] =	wrdreg $0xC0  }
0xaa: {  	_ =	task [dreg:s7], $0x5FFFF  }
0xab: {  	[dreg:$0x1] =	wrdreg $0xFFFFFFFF  }
0xac: {  	[dreg:$0x0] =	wrdreg $0x60  }
0xad: {  	[dreg:$0x2] =	wrdreg s0  }
0xae: {  	[dreg:$0x3] =	wrdreg s16  }
0xaf: {  	[dreg:$0x4] =	wrdreg s22  }
0xb0: {  	[dreg:$0x5] =	wrdreg s2  }
0xb1: {  	[dreg:$0x6] =	wrdreg $0x6C000  }
0xb2: {  	[dreg:$0x7] =	wrdreg $0x1A4800  }
0xb3: {  	[dreg:$0x8] =	wrdreg $0x9  }
0xb4: {  	_ =	task.clear_ibuf [dreg:s7], $0x9FFFF;
	_ =	strace $0x90000046  }
0xb5: {  	s26 =	simm.s32 $0x9;
	_ =	strace $0x80000048  }
0xb6: {  	_ =	swait.ge [sflag:s26], $0x1  }
0xb7: {  	[sflag:s26] =	ssyncadd.s32 $0xFFFFFFFF  }
0xb8: {  	_ =	strace $0x90000048  }
0xb9: {  	_ =	sfence  }
0xba: {  	s28 =	sld [smem:$0x0];
	_ =	sdelay $0x1  }
0xbb: {  	s29 =	srdreg.scid  }
0xbc: {  	s30 =	sshll.u32 s29, $0xD;
	s31 =	sshrl.u32 s29, $0x2  }
0xbd: {  	s1 =	sand.u32 $0x1, s29;
	s2 =	sand.u32 $0x4000, s30;
	s0 =	sadd.s32 s31, s28  }
0xbe: {  	s1 =	sor.u32 s2, s1;
	s0 =	sshll.u32 s0, $0x11  }
0xbf: {  	s0 =	sor.u32 s0, s1  }
0xc0: {  	s0 =	sadd.s32 $0x8F2B, s0  }
0xc1: {  	[sflag:s0] =	ssyncadd.remote.s32 $0x1  }
0xc2: {  	_ =	sfence.sel $0xFFFF  }
0xc3: {  	[dreg:$0x0] =	wrdreg $0xFFFFFFFF;
	(pc) =	sbr.abs _section_cstart, $3  }
0xc4: {  	[dreg:$0x1] =	wrdreg $0xFFFFFFFF  }
0xc5: {  	_ =	task.clear_ibuf [dreg:s7], $0x2FFFF;
	_ =	strace $0x9FFFFFFF  }
0xc6: {  	(tm) =	ssettm $0x7FFFFFFF  }
0xc7: {  	_ =	shalt  }
tec
execute0_lowered:
.L_overlay_start_1:
0x0: {  	(tag) =	ssettag $0x1  }
0x1: {  	s0 =	rddreg [dreg:$0x0]  }
0x2: {  	s2 =	rddreg [dreg:$0x1]  }
0x3: {  	s3 =	rddreg [dreg:$0x2]  }
0x4: {  	s4 =	rddreg [dreg:$0x3];
	s1 =	stileid.u32  }
0x5: {  	s8 =	rddreg [dreg:$0x4];
	s5 =	smul.u32 $0x4E20, s1  }
0x6: {  	s11 =	rddreg [dreg:$0x5];
	s22 =	simm.s32 $0x0;
	s6 =	smul.u32 $0x271000, s1  }
0x7: {  	s24 =	simm.s32 $0x100;
	[smem:$0x7FF] =	sst s22;
	s5 =	sshrl.u32 s5, $0x3  }
0x8: {  	_ =	strace $0x80000047;
	s12 =	sshrl.u32 s6, $0x3;
	s7 =	sadd.s32 s2, s5  }
0x9: {  	[tilespmem:s22], [sflag:$0x1] =	stream.linear.gather [hbm4b:s7+s22], $0x50, $0x38;
	[tilespmem:$0x1A6F8] =	vst v63  }
0xa: {  	s23 =	simm.s32 $0x5;
	s5 =	sadd.s32 s0, s12;
	[dreg:$0x18] =	wrdreg s7  }
0xb: {  	[tilespmem:s24], [sflag:$0x1] =	stream.linear.gather [hbm4b:s5+s22], $0x2800, $0x38;
	[tilespmem:$0x1A6F8] =	vst v63  }
0xc: {  	s13 =	sadd.s32 $0x1800, s3;
	s6 =	simm.s32 $0x5100;
	[dreg:$0x17] =	wrdreg s5  }
0xd: {  	[tilespmem:s6], [sflag:$0x5] =	stream.linear.gather [hbm4b:s13+s22], $0x1800, $0x38;
	[tilespmem:$0x1A6F8] =	vst v63  }
0xe: {  	_ =	swait.ge [sflag:s23], $0x1800  }
0xf: {  	[sflag:s23] =	ssyncset.done $0x0  }
0x10: {  	s25 =	simm.s32 $0x6900;
	s14 =	sadd.s32 $0x1400, s3;
	[sflag:s23] =	ssyncadd.s32 $0xFFFFE800  }
0x11: {  	[tilespmem:s25], [sflag:$0x5] =	stream.linear.gather [hbm4b:s14+s22], $0x80, $0x38;
	[tilespmem:$0x1A6F8] =	vst v63  }
0x12: {  	_ =	swait.ge [sflag:s23], $0x80  }
0x13: {  	s10 =	simm.s32 $0x6980;
	s9 =	smul.u32 $0x4E000, s1;
	[sflag:s23] =	ssyncset.done $0x0  }
0x14: {  	s15 =	sadd.s32 $0x1600, s3;
	s5 =	smul.u32 $0x270, s1;
	[sflag:s23] =	ssyncadd.s32 $0xFFFFFF80  }
0x15: {  	[tilespmem:s10], [sflag:$0x5] =	stream.linear.gather [hbm4b:s15+s22], $0x280, $0x38;
	[tilespmem:$0x1A6F8] =	vst v63  }
0x16: {  	s16 =	sshrl.u32 s9, $0x2;
	_ =	swait.ge [sflag:s23], $0x280  }
0x17: {  	s9 =	sadd.s32 s16, s8;
	s28 =	sadd.s32 $0x30, s5;
	[sflag:s23] =	ssyncset.done $0x0  }
0x18: {  	s26 =	sadd.s32 $0x60, s5;
	s17 =	sshll.u32 s28, $0x7;
	[sflag:s23] =	ssyncadd.s32 $0xFFFFFD80  }
0x19: {  	[spmem:s9] =	stream.linear.scatter [tilespmem:s6], [sflag:$0x4], $0x1800, $0x38;
	[tilespmem:$0x1A6F8] =	vst v63  }
0x1a: {  	s12 =	sadd.s32 $0x90, s5;
	s19 =	sshll.u32 s26, $0x7;
	s18 =	sadd.s32 s17, s8  }
0x1b: {  	[spmem:s18] =	stream.linear.scatter [tilespmem:s6], [sflag:$0x4], $0x1800, $0x38;
	[tilespmem:$0x1A6F8] =	vst v63  }
0x1c: {  	s30 =	sadd.s32 $0xC0, s5;
	s21 =	sshll.u32 s12, $0x7;
	s20 =	sadd.s32 s19, s8  }
0x1d: {  	[spmem:s20] =	stream.linear.scatter [tilespmem:s6], [sflag:$0x4], $0x1800, $0x38;
	[tilespmem:$0x1A6F8] =	vst v63  }
0x1e: {  	s13 =	sshll.u32 s30, $0x7;
	s7 =	sadd.s32 s21, s8  }
0x1f: {  	[spmem:s7] =	stream.linear.scatter [tilespmem:s6], [sflag:$0x4], $0x1800, $0x38;
	[tilespmem:$0x1A6F8] =	vst v63  }
0x20: {  	[dreg:$0x12] =	wrdreg s7;
	s7 =	sadd.s32 s13, s8;
	s13 =	sadd.s32 $0xF0, s5  }
0x21: {  	s14 =	sshll.u32 s13, $0x7  }
0x22: {  	[spmem:s7] =	stream.linear.scatter [tilespmem:s6], [sflag:$0x4], $0x1800, $0x38;
	[tilespmem:$0x1A6F8] =	vst v63  }
0x23: {  	[dreg:$0x11] =	wrdreg s7;
	s7 =	sadd.s32 s14, s8;
	s14 =	sadd.s32 $0x120, s5  }
0x24: {  	[dreg:$0x16] =	wrdreg s9;
	s15 =	sshll.u32 s14, $0x7  }
0x25: {  	[spmem:s7] =	stream.linear.scatter [tilespmem:s6], [sflag:$0x4], $0x1800, $0x38;
	[tilespmem:$0x1A6F8] =	vst v63  }
0x26: {  	[dreg:$0x10] =	wrdreg s7;
	s7 =	sadd.s32 s15, s8;
	s15 =	sadd.s32 $0x150, s5  }
0x27: {  	[dreg:$0x15] =	wrdreg s18;
	s16 =	sshll.u32 s15, $0x7  }
0x28: {  	[spmem:s7] =	stream.linear.scatter [tilespmem:s6], [sflag:$0x4], $0x1800, $0x38;
	[tilespmem:$0x1A6F8] =	vst v63  }
0x29: {  	[dreg:$0xe] =	wrdreg s7;
	s7 =	sadd.s32 s16, s8;
	s16 =	sadd.s32 $0x180, s5  }
0x2a: {  	s31 =	sadd.s32 $0x1B0, s5;
	[dreg:$0x14] =	wrdreg s20;
	s17 =	sshll.u32 s16, $0x7  }
0x2b: {  	[spmem:s7] =	stream.linear.scatter [tilespmem:s6], [sflag:$0x4], $0x1800, $0x38;
	[tilespmem:$0x1A6F8] =	vst v63  }
0x2c: {  	s18 =	sshll.u32 s31, $0x7;
	[dreg:$0xd] =	wrdreg s7;
	s7 =	sadd.s32 s17, s8  }
0x2d: {  	[spmem:s7] =	stream.linear.scatter [tilespmem:s6], [sflag:$0x4], $0x1800, $0x38;
	[tilespmem:$0x1A6F8] =	vst v63  }
0x2e: {  	s17 =	sadd.s32 $0x1E0, s5;
	[dreg:$0xc] =	wrdreg s7;
	s7 =	sadd.s32 s18, s8  }
0x2f: {  	s19 =	sshll.u32 s17, $0x7;
	s18 =	sadd.s32 $0x210, s5;
	[dreg:$0xb] =	wrdreg s7  }
0x30: {  	[spmem:s7] =	stream.linear.scatter [tilespmem:s6], [sflag:$0x4], $0x1800, $0x38;
	[tilespmem:$0x1A6F8] =	vst v63  }
0x31: {  	s20 =	sshll.u32 s18, $0x7;
	s7 =	sadd.s32 s19, s8;
	s19 =	sadd.s32 $0x240, s5  }
0x32: {  	[spmem:s7] =	stream.linear.scatter [tilespmem:s6], [sflag:$0x4], $0x1800, $0x38;
	[tilespmem:$0x1A6F8] =	vst v63  }
0x33: {  	[dreg:$0xa] =	wrdreg s7;
	s21 =	sshll.u32 s19, $0x7;
	s7 =	sadd.s32 s20, s8  }
0x34: {  	[spmem:s7] =	stream.linear.scatter [tilespmem:s6], [sflag:$0x4], $0x1800, $0x38;
	[tilespmem:$0x1A6F8] =	vst v63  }
0x35: {  	s9 =	sadd.s32 s5, s11;
	[dreg:$0x9] =	wrdreg s7;
	s7 =	sadd.s32 s21, s8  }
0x36: {  	[spmem:s7] =	stream.linear.scatter [tilespmem:s6], [sflag:$0x4], $0x1800, $0x38;
	[tilespmem:$0x1A6F8] =	vst v63  }
0x37: {  	[dreg:$0x7] =	wrdreg s9  }
0x38: {  	[spmem:s9] =	stream.linear.scatter [tilespmem:s10], [sflag:$0x4], $0x270, $0x38;
	[tilespmem:$0x1A6F8] =	vst v63  }
0x39: {  	[dreg:$0x8] =	wrdreg s7;
	s10 =	simm.s32 $0x4  }
0x3a: {  	_ =	swait.ge [sflag:s10], $0x1800  }
0x3b: {  	[sflag:s10] =	ssyncset.done $0x0  }
0x3c: {  	[sflag:s10] =	ssyncadd.s32 $0xFFFFE800  }
0x3d: {  	_ =	swait.ge [sflag:s10], $0x1800  }
0x3e: {  	[sflag:s10] =	ssyncset.done $0x0  }
0x3f: {  	[sflag:s10] =	ssyncadd.s32 $0xFFFFE800  }
0x40: {  	_ =	swait.ge [sflag:s10], $0x1800  }
0x41: {  	[sflag:s10] =	ssyncset.done $0x0  }
0x42: {  	[sflag:s10] =	ssyncadd.s32 $0xFFFFE800  }
0x43: {  	_ =	swait.ge [sflag:s10], $0x1800  }
0x44: {  	[sflag:s10] =	ssyncset.done $0x0  }
0x45: {  	[sflag:s10] =	ssyncadd.s32 $0xFFFFE800  }
0x46: {  	_ =	swait.ge [sflag:s10], $0x1800  }
0x47: {  	[sflag:s10] =	ssyncset.done $0x0  }
0x48: {  	[sflag:s10] =	ssyncadd.s32 $0xFFFFE800  }
0x49: {  	_ =	swait.ge [sflag:s10], $0x1800  }
0x4a: {  	[sflag:s10] =	ssyncset.done $0x0  }
0x4b: {  	[sflag:s10] =	ssyncadd.s32 $0xFFFFE800  }
0x4c: {  	_ =	swait.ge [sflag:s10], $0x1800  }
0x4d: {  	[sflag:s10] =	ssyncset.done $0x0  }
0x4e: {  	[sflag:s10] =	ssyncadd.s32 $0xFFFFE800  }
0x4f: {  	_ =	swait.ge [sflag:s10], $0x1800  }
0x50: {  	[sflag:s10] =	ssyncset.done $0x0  }
0x51: {  	[sflag:s10] =	ssyncadd.s32 $0xFFFFE800  }
0x52: {  	_ =	swait.ge [sflag:s10], $0x1800  }
0x53: {  	[sflag:s10] =	ssyncset.done $0x0  }
0x54: {  	[sflag:s10] =	ssyncadd.s32 $0xFFFFE800  }
0x55: {  	_ =	swait.ge [sflag:s10], $0x1800  }
0x56: {  	[sflag:s10] =	ssyncset.done $0x0  }
0x57: {  	[sflag:s10] =	ssyncadd.s32 $0xFFFFE800  }
0x58: {  	_ =	swait.ge [sflag:s10], $0x1800  }
0x59: {  	[sflag:s10] =	ssyncset.done $0x0  }
0x5a: {  	[sflag:s10] =	ssyncadd.s32 $0xFFFFE800  }
0x5b: {  	_ =	swait.ge [sflag:s10], $0x1800  }
0x5c: {  	[sflag:s10] =	ssyncset.done $0x0  }
0x5d: {  	[sflag:s10] =	ssyncadd.s32 $0xFFFFE800  }
0x5e: {  	_ =	swait.ge [sflag:s10], $0x1800  }
0x5f: {  	[sflag:s10] =	ssyncset.done $0x0  }
0x60: {  	[sflag:s10] =	ssyncadd.s32 $0xFFFFE800  }
0x61: {  	_ =	swait.ge [sflag:s10], $0x270  }
0x62: {  	p0 =	sne.s32 s1, $0xF;
	[sflag:s10] =	ssyncset.done $0x0  }
0x63: {  	s7 =	sadd.s32 $0x138000, s8;
	s6 =	simm.s32 @!p0 $0x5100;
	[sflag:s10] =	ssyncadd.s32 $0xFFFFFD90  }
0x64: {  	[spmem:s7] =	stream.linear.scatter @!p0 [tilespmem:s6], [sflag:$0x5], $0x800, $0x38;
	[tilespmem:$0x1A6F8] =	vst v63  }
0x65: {  	[dreg:$0x13] =	wrdreg s7;
	s6 =	simm.s32 @!p0 $0x5  }
0x66: {  	_ =	swait.ge @!p0 [sflag:s6], $0x800  }
0x67: {  	s20 =	smul.u32 $0x9C4, s1;
	s9 =	sadd.s32 $0x2700, s11;
	[sflag:s6] =	ssyncset.done @!p0 $0x0  }
0x68: {  	s7 =	simm.s32 @!p0 $0x6980;
	[dreg:$0xf] =	wrdreg s9;
	[sflag:s6] =	ssyncadd.s32 @!p0 $0xFFFFF800  }
0x69: {  	[spmem:s9] =	stream.linear.scatter @!p0 [tilespmem:s7], [sflag:$0x5], $0x10, $0x38;
	[tilespmem:$0x1A6F8] =	vst v63  }
0x6a: {  	s21 =	smul.u32 $0x4E200, s1;
	_ =	swait.ge @!p0 [sflag:s6], $0x10  }
0x6b: {  	s10 =	sadd.s32 s20, s2;
	[sflag:s6] =	ssyncset.done @!p0 $0x0  }
0x6c: {  	s0 =	sadd.s32 s21, s0;
	s20 =	sadd.s32 $0x0, s10;
	[sflag:s6] =	ssyncadd.s32 @!p0 $0xFFFFFFF0  }
0x6d: {  	s9 =	sadd.s32 $0xA, s20;
	s6 =	simm.s32 $0x80;
	[bflag:$0x0] =	sbarrier.arrive $0xFFFF  }
0x6e: {  	[tilespmem:s6], [sflag:$0x2] =	stream.linear.gather [hbm4b:s9+s22], $0x50, $0x38;
	[tilespmem:$0x1A6F8] =	vst v63  }
0x6f: {  	s0 =	sadd.s32 $0x500, s0;
	s2 =	simm.s32 $0x1;
	s7 =	simm.s32 $0x2900  }
0x70: {  	[tilespmem:s7], [sflag:$0x2] =	stream.linear.gather [hbm4b:s0+s22], $0x2800, $0x38;
	[tilespmem:$0x1A6F8] =	vst v63  }
0x71: {  	_ =	swait.ge [sflag:s2], $0x50  }
0x72: {  	[sflag:s2] =	ssyncset.done $0x0  }
0x73: {  	s29 =	simm.s32 $0x50;
	[sflag:s2] =	ssyncadd.s32 $0xFFFFFFB0  }
0x74: {  	[spmem:s11] =	stream.indirect.scatter.add.f32 [tilespmem:s25], [sflag:$0x3], $0x1, s22, s29, $0xb8;
	[tilespmem:$0x1A6F8] =	vst v63  }
0x75: {  	_ =	swait.ge [sflag:s2], $0x2800  }
0x76: {  	[sflag:s2] =	ssyncset.done $0x0  }
0x77: {  	[sflag:s2] =	ssyncadd.s32 $0xFFFFD800  }
0x78: {  	[spmem:s8] =	stream.indirect.scatter.add.f32 [tilespmem:s24], [sflag:$0x5], $0x80, s22, s29, $0xb8;
	[tilespmem:$0x1A6F8] =	vst v63  }
0x79: {  	_ =	swait.ge [sflag:s23], $0x2800  }
0x7a: {  	[sflag:s23] =	ssyncset.done $0x0  }
0x7b: {  	s9 =	simm.s32 $0x3;
	[sflag:s23] =	ssyncadd.s32 $0xFFFFD800  }
0x7c: {  	s26 =	sshll.u32 s26, $0x4;
	_ =	swait.ge [sflag:s9], $0x50  }
0x7d: {  	s26 =	sadd.s32 s4, s26;
	s13 =	sshll.u32 s13, $0x4;
	[sflag:s9] =	ssyncset.done $0x0  }
0x7e: {  	s13 =	sadd.s32 s4, s13;
	s20 =	sadd.s32 $0x14, s20;
	[sflag:s9] =	ssyncadd.s32 $0xFFFFFFB0  }
0x7f: {  	[tilespmem:s22], [sflag:$0x1] =	stream.linear.gather [hbm4b:s20+s22], $0x50, $0x38;
	[tilespmem:$0x1A6F8] =	vst v63  }
0x80: {  	s14 =	sshll.u32 s14, $0x4;
	s21 =	sadd.s32 $0x500, s0;
	s20 =	smul.u32 $0x2700, s1  }
0x81: {  	[tilespmem:s24], [sflag:$0x1] =	stream.linear.gather [hbm4b:s21+s22], $0x2800, $0x38;
	[tilespmem:$0x1A6F8] =	vst v63  }
0x82: {  	s14 =	sadd.s32 s4, s14;
	s17 =	sshll.u32 s17, $0x4;
	s21 =	sshll.u32 s28, $0x4  }
0x83: {  	s28 =	sadd.s32 s4, s20;
	s20 =	sadd.s32 s4, s21;
	s21 =	sshll.u32 s12, $0x4  }
0x84: {  	s18 =	sshll.u32 s18, $0x4;
	s5 =	sshrl.u32 s5, $0x3;
	s21 =	sadd.s32 s4, s21  }
0x85: {  	s12 =	simm.s32 $0x2;
	[dreg:$0x1d] =	wrdreg s21;
	s21 =	sshll.u32 s30, $0x4  }
0x86: {  	_ =	swait.ge [sflag:s12], $0x50;
	s30 =	sadd.s32 s4, s21;
	[dreg:$0x1c] =	wrdreg s14  }
0x87: {  	s21 =	sshll.u32 s15, $0x4;
	s15 =	sshll.u32 s16, $0x4;
	[sflag:s12] =	ssyncset.done $0x0  }
0x88: {  	s16 =	sshll.u32 s31, $0x4;
	s14 =	sadd.s32 s4, s21;
	[sflag:s12] =	ssyncadd.s32 $0xFFFFFFB0  }
0x89: {  	[spmem:s11] =	stream.indirect.scatter.add.f32 [tilespmem:s25], [sflag:$0x3], $0x1, s6, s29, $0xb8;
	[tilespmem:$0x1A6F8] =	vst v63  }
0x8a: {  	_ =	swait.ge [sflag:s12], $0x2800;
	[dreg:$0x1b] =	wrdreg s14;
	s14 =	sadd.s32 s4, s15  }
0x8b: {  	[sflag:s12] =	ssyncset.done $0x0;
	[dreg:$0x1a] =	wrdreg s14;
	s14 =	sadd.s32 s4, s16  }
0x8c: {  	s19 =	sshll.u32 s19, $0x4;
	[sflag:s12] =	ssyncadd.s32 $0xFFFFD800;
	[dreg:$0x19] =	wrdreg s14  }
0x8d: {  	[spmem:s8] =	stream.indirect.scatter.add.f32 [tilespmem:s7], [sflag:$0x5], $0x80, s6, s29, $0xb8;
	[tilespmem:$0x1A6F8] =	vst v63  }
0x8e: {  	s5 =	sadd.s32 s5, s3;
	s19 =	sadd.s32 s4, s19;
	_ =	swait.ge [sflag:s23], $0x2800  }
0x8f: {  	s31 =	sadd.s32 s4, s17;
	s17 =	sadd.s32 $0x1C00, s5;
	[sflag:s23] =	ssyncset.done $0x0  }
0x90: {  	s21 =	sadd.s32 s4, s18;
	s18 =	sadd.s32 $0x27000, s4;
	[sflag:s23] =	ssyncadd.s32 $0xFFFFD800  }
0x91: {  	s15 =	simm.s32 $0x28;
	s16 =	sadd.s32 $0x20E0, s3;
	_ =	swait.ge [sflag:s9], $0x50  }
0x92: {  	s3 =	sadd.s32 $0xA00, s0;
	s14 =	sadd.s32 $0x14, s10;
	[sflag:s9] =	ssyncset.done $0x0  }
.LBB2_1:
0x93: {  	s5 =	sadd.s32 $0xA, s14  }
0x94: {  	[sflag:s9] =	ssyncadd.s32 $0xFFFFFFB0;
	s0 =	smov.u32 s15;
	s4 =	sadd.s32 $0x14, s15  }
0x95: {  	[tilespmem:s6], [sflag:$0x2] =	stream.linear.gather [hbm4b:s5+s22], $0x50, $0x38;
	[tilespmem:$0x1A6F8] =	vst v63  }
0x96: {  	p1 =	sne.s32 s15, $0x99C  }
0x97: {  	[tilespmem:s7], [sflag:$0x2] =	stream.linear.gather [hbm4b:s3+s22], $0x2800, $0x38;
	[tilespmem:$0x1A6F8] =	vst v63  }
0x98: {  	_ =	swait.ge [sflag:s2], $0x50  }
0x99: {  	[sflag:s2] =	ssyncset.done $0x0  }
0x9a: {  	[sflag:s2] =	ssyncadd.s32 $0xFFFFFFB0  }
0x9b: {  	[spmem:s11] =	stream.indirect.scatter.add.f32 [tilespmem:s25], [sflag:$0x3], $0x1, s22, s29, $0xb8;
	[tilespmem:$0x1A6F8] =	vst v63  }
0x9c: {  	_ =	swait.ge [sflag:s2], $0x2800  }
0x9d: {  	[sflag:s2] =	ssyncset.done $0x0  }
0x9e: {  	[sflag:s2] =	ssyncadd.s32 $0xFFFFD800  }
0x9f: {  	[spmem:s8] =	stream.indirect.scatter.add.f32 [tilespmem:s24], [sflag:$0x5], $0x80, s22, s29, $0xb8;
	[tilespmem:$0x1A6F8] =	vst v63  }
0xa0: {  	_ =	swait.ge [sflag:s23], $0x2800  }
0xa1: {  	[sflag:s23] =	ssyncset.done $0x0  }
0xa2: {  	[sflag:s23] =	ssyncadd.s32 $0xFFFFD800  }
0xa3: {  	_ =	swait.ge [sflag:s9], $0x50  }
0xa4: {  	[sflag:s9] =	ssyncset.done $0x0  }
0xa5: {  	s5 =	sadd.s32 $0x14, s14;
	[sflag:s9] =	ssyncadd.s32 $0xFFFFFFB0  }
0xa6: {  	[tilespmem:s22], [sflag:$0x1] =	stream.linear.gather [hbm4b:s5+s22], $0x50, $0x38;
	[tilespmem:$0x1A6F8] =	vst v63  }
0xa7: {  	s5 =	sadd.s32 $0x500, s3  }
0xa8: {  	[tilespmem:s24], [sflag:$0x1] =	stream.linear.gather [hbm4b:s5+s22], $0x2800, $0x38;
	[tilespmem:$0x1A6F8] =	vst v63  }
0xa9: {  	_ =	swait.ge [sflag:s12], $0x50  }
0xaa: {  	[sflag:s12] =	ssyncset.done $0x0  }
0xab: {  	[sflag:s12] =	ssyncadd.s32 $0xFFFFFFB0  }
0xac: {  	[spmem:s11] =	stream.indirect.scatter.add.f32 [tilespmem:s25], [sflag:$0x3], $0x1, s6, s29, $0xb8;
	[tilespmem:$0x1A6F8] =	vst v63  }
0xad: {  	_ =	swait.ge [sflag:s12], $0x2800  }
0xae: {  	[sflag:s12] =	ssyncset.done $0x0  }
0xaf: {  	[sflag:s12] =	ssyncadd.s32 $0xFFFFD800  }
0xb0: {  	[spmem:s8] =	stream.indirect.scatter.add.f32 [tilespmem:s7], [sflag:$0x5], $0x80, s6, s29, $0xb8;
	[tilespmem:$0x1A6F8] =	vst v63  }
.Ltmp0:
0xb1: {  	_ =	swait.ge [sflag:s23], $0x2800;
	(pc) =	sbr.rel @p1 .LBB2_1-.Ltmp0, $4  }
0xb2: {  	[sflag:s23] =	ssyncset.done $0x0  }
0xb3: {  	[sflag:s23] =	ssyncadd.s32 $0xFFFFD800  }
0xb4: {  	s14 =	sadd.s32 s0, s10;
	_ =	swait.ge [sflag:s9], $0x50  }
0xb5: {  	s15 =	smov.u32 s4;
	s3 =	sadd.s32 $0xA00, s3;
	[sflag:s9] =	ssyncset.done $0x0  }
0xb6: {  	[sflag:s9] =	ssyncadd.s32 $0xFFFFFFB0;
	s0 =	sadd.s32 $0xA, s14  }
0xb7: {  	[tilespmem:s6], [sflag:$0x2] =	stream.linear.gather [hbm4b:s0+s22], $0x50, $0x38;
	[tilespmem:$0x1A6F8] =	vst v63  }
0xb8: {  	_ = 	snop  }
0xb9: {  	[tilespmem:s7], [sflag:$0x2] =	stream.linear.gather [hbm4b:s3+s22], $0x2800, $0x38;
	[tilespmem:$0x1A6F8] =	vst v63  }
0xba: {  	_ =	swait.ge [sflag:s2], $0x50  }
0xbb: {  	[sflag:s2] =	ssyncset.done $0x0  }
0xbc: {  	[sflag:s2] =	ssyncadd.s32 $0xFFFFFFB0  }
0xbd: {  	[spmem:s11] =	stream.indirect.scatter.add.f32 [tilespmem:s25], [sflag:$0x3], $0x1, s22, s29, $0xb8;
	[tilespmem:$0x1A6F8] =	vst v63  }
0xbe: {  	_ =	swait.ge [sflag:s2], $0x2800  }
0xbf: {  	[sflag:s2] =	ssyncset.done $0x0  }
0xc0: {  	[sflag:s2] =	ssyncadd.s32 $0xFFFFD800  }
0xc1: {  	[spmem:s8] =	stream.indirect.scatter.add.f32 [tilespmem:s24], [sflag:$0x5], $0x80, s22, s29, $0xb8;
	[tilespmem:$0x1A6F8] =	vst v63  }
0xc2: {  	_ =	swait.ge [sflag:s23], $0x2800  }
0xc3: {  	[sflag:s23] =	ssyncset.done $0x0  }
0xc4: {  	[sflag:s23] =	ssyncadd.s32 $0xFFFFD800  }
0xc5: {  	_ =	swait.ge [sflag:s9], $0x50  }
0xc6: {  	[sflag:s9] =	ssyncset.done $0x0  }
0xc7: {  	s5 =	sadd.s32 $0x14, s14;
	[sflag:s9] =	ssyncadd.s32 $0xFFFFFFB0  }
0xc8: {  	[tilespmem:s22], [sflag:$0x1] =	stream.linear.gather [hbm4b:s5+s22], $0x50, $0x38;
	[tilespmem:$0x1A6F8] =	vst v63  }
0xc9: {  	s10 =	sadd.s32 $0x500, s3  }
0xca: {  	[tilespmem:s24], [sflag:$0x1] =	stream.linear.gather [hbm4b:s10+s22], $0x2800, $0x38;
	[tilespmem:$0x1A6F8] =	vst v63  }
0xcb: {  	_ =	swait.ge [sflag:s12], $0x50  }
0xcc: {  	[sflag:s12] =	ssyncset.done $0x0  }
0xcd: {  	[sflag:s12] =	ssyncadd.s32 $0xFFFFFFB0  }
0xce: {  	[spmem:s11] =	stream.indirect.scatter.add.f32 [tilespmem:s25], [sflag:$0x3], $0x1, s6, s29, $0xb8;
	[tilespmem:$0x1A6F8] =	vst v63  }
0xcf: {  	_ =	swait.ge [sflag:s12], $0x2800  }
0xd0: {  	[sflag:s12] =	ssyncset.done $0x0  }
0xd1: {  	[sflag:s12] =	ssyncadd.s32 $0xFFFFD800  }
0xd2: {  	[spmem:s8] =	stream.indirect.scatter.add.f32 [tilespmem:s7], [sflag:$0x5], $0x80, s6, s29, $0xb8;
	[tilespmem:$0x1A6F8] =	vst v63  }
0xd3: {  	_ =	swait.ge [sflag:s23], $0x2800  }
0xd4: {  	[sflag:s23] =	ssyncset.done $0x0  }
0xd5: {  	[sflag:s23] =	ssyncadd.s32 $0xFFFFD800  }
0xd6: {  	s4 =	simm.s32 $0x80;
	_ =	swait.ge [sflag:s9], $0x50  }
0xd7: {  	s3 =	simm.s32 $0x0;
	[sflag:s9] =	ssyncset.done $0x0;
	s12 =	rddreg [dreg:$0x18]  }
0xd8: {  	s14 =	rddreg [dreg:$0x17];
	[sflag:s9] =	ssyncadd.s32 $0xFFFFFFB0;
	s0 =	sadd.s32 $0x9BA, s12  }
0xd9: {  	[tilespmem:s4], [sflag:$0x2] =	stream.linear.gather [hbm4b:s0+s3], $0x50, $0x38;
	[tilespmem:$0x1A6F8] =	vst v63  }
0xda: {  	s15 =	simm.s32 $0x1;
	s5 =	simm.s32 $0x2900;
	s0 =	sadd.s32 $0x4DD00, s14  }
0xdb: {  	[tilespmem:s5], [sflag:$0x2] =	stream.linear.gather [hbm4b:s0+s3], $0x2800, $0x38;
	[tilespmem:$0x1A6F8] =	vst v63  }
0xdc: {  	_ =	swait.ge [sflag:s15], $0x50  }
0xdd: {  	[sflag:s15] =	ssyncset.done $0x0  }
0xde: {  	s22 =	simm.s32 $0x50;
	s23 =	simm.s32 $0x6900;
	[sflag:s15] =	ssyncadd.s32 $0xFFFFFFB0  }
0xdf: {  	[spmem:s11] =	stream.indirect.scatter.add.f32 [tilespmem:s23], [sflag:$0x3], $0x1, s3, s22, $0xb8;
	[tilespmem:$0x1A6F8] =	vst v63  }
0xe0: {  	_ =	swait.ge [sflag:s15], $0x2800  }
0xe1: {  	[sflag:s15] =	ssyncset.done $0x0  }
0xe2: {  	s2 =	simm.s32 $0x5;
	s24 =	simm.s32 $0x100;
	[sflag:s15] =	ssyncadd.s32 $0xFFFFD800  }
0xe3: {  	[spmem:s8] =	stream.indirect.scatter.add.f32 [tilespmem:s24], [sflag:$0x5], $0x80, s3, s22, $0xb8;
	[tilespmem:$0x1A6F8] =	vst v63  }
0xe4: {  	_ =	swait.ge [sflag:s2], $0x2800  }
0xe5: {  	[sflag:s2] =	ssyncset.done $0x0  }
0xe6: {  	s25 =	simm.s32 $0x3;
	[sflag:s2] =	ssyncadd.s32 $0xFFFFD800  }
0xe7: {  	_ =	swait.ge [sflag:s25], $0x50  }
0xe8: {  	[sflag:s25] =	ssyncset.done $0x0  }
0xe9: {  	s29 =	simm.s32 $0x2;
	[sflag:s25] =	ssyncadd.s32 $0xFFFFFFB0  }
0xea: {  	_ =	swait.ge [sflag:s29], $0x50  }
0xeb: {  	[sflag:s29] =	ssyncset.done $0x0  }
0xec: {  	[sflag:s29] =	ssyncadd.s32 $0xFFFFFFB0  }
0xed: {  	[spmem:s11] =	stream.indirect.scatter.add.f32 [tilespmem:s23], [sflag:$0x3], $0x1, s4, s22, $0xb8;
	[tilespmem:$0x1A6F8] =	vst v63  }
0xee: {  	_ =	swait.ge [sflag:s29], $0x2800  }
0xef: {  	[sflag:s29] =	ssyncset.done $0x0  }
0xf0: {  	[sflag:s29] =	ssyncadd.s32 $0xFFFFD800  }
0xf1: {  	[spmem:s8] =	stream.indirect.scatter.add.f32 [tilespmem:s5], [sflag:$0x5], $0x80, s4, s22, $0xb8;
	[tilespmem:$0x1A6F8] =	vst v63  }
0xf2: {  	_ =	swait.ge [sflag:s2], $0x2800  }
0xf3: {  	[sflag:s2] =	ssyncset.done $0x0  }
0xf4: {  	[sflag:s2] =	ssyncadd.s32 $0xFFFFD800  }
0xf5: {  	_ =	swait.ge [sflag:s25], $0x50  }
0xf6: {  	[sflag:s25] =	ssyncset.done $0x0  }
0xf7: {  	[sflag:s25] =	ssyncadd.s32 $0xFFFFFFB0  }
0xf8: {  	[bflag:$0x0] =	sbarrier.arrive $0xFFFF  }
0xf9: {  	s5 =	simm.s32 $0x5100;
	s6 =	rddreg [dreg:$0x16]  }
0xfa: {  	[tilespmem:s5], [sflag:$0x5] =	stream.linear.gather [spmem:s6], $0x1800, $0x38;
	[tilespmem:$0x1A6F8] =	vst v63  }
0xfb: {  	_ =	swait.ge [sflag:s2], $0x1800  }
0xfc: {  	[sflag:s2] =	ssyncset.done $0x0  }
0xfd: {  	[sflag:s2] =	ssyncadd.s32 $0xFFFFE800  }
0xfe: {  	[hbm4b:s28+s3] =	stream.linear.scatter [tilespmem:s5], [sflag:$0x5], $0x1800, $0x38;
	[tilespmem:$0x1A6F8] =	vst v63  }
0xff: {  	_ =	swait.ge [sflag:s2], $0x1800  }
0x100: {  	[sflag:s2] =	ssyncset.done $0x0  }
0x101: {  	s7 =	rddreg [dreg:$0x15];
	[sflag:s2] =	ssyncadd.s32 $0xFFFFE800  }
0x102: {  	[tilespmem:s5], [sflag:$0x5] =	stream.linear.gather [spmem:s7], $0x1800, $0x38;
	[tilespmem:$0x1A6F8] =	vst v63  }
0x103: {  	_ =	swait.ge [sflag:s2], $0x1800  }
0x104: {  	[sflag:s2] =	ssyncset.done $0x0  }
0x105: {  	[sflag:s2] =	ssyncadd.s32 $0xFFFFE800  }
0x106: {  	[hbm4b:s20+s3] =	stream.linear.scatter [tilespmem:s5], [sflag:$0x5], $0x1800, $0x38;
	[tilespmem:$0x1A6F8] =	vst v63  }
0x107: {  	_ =	swait.ge [sflag:s2], $0x1800  }
0x108: {  	[sflag:s2] =	ssyncset.done $0x0  }
0x109: {  	s8 =	rddreg [dreg:$0x14];
	[sflag:s2] =	ssyncadd.s32 $0xFFFFE800  }
0x10a: {  	[tilespmem:s5], [sflag:$0x5] =	stream.linear.gather [spmem:s8], $0x1800, $0x38;
	[tilespmem:$0x1A6F8] =	vst v63  }
0x10b: {  	_ =	swait.ge [sflag:s2], $0x1800  }
0x10c: {  	[sflag:s2] =	ssyncset.done $0x0  }
0x10d: {  	[sflag:s2] =	ssyncadd.s32 $0xFFFFE800  }
0x10e: {  	[hbm4b:s26+s3] =	stream.linear.scatter [tilespmem:s5], [sflag:$0x5], $0x1800, $0x38;
	[tilespmem:$0x1A6F8] =	vst v63  }
0x10f: {  	_ =	swait.ge [sflag:s2], $0x1800  }
0x110: {  	[sflag:s2] =	ssyncset.done $0x0  }
0x111: {  	s9 =	rddreg [dreg:$0x12];
	[sflag:s2] =	ssyncadd.s32 $0xFFFFE800  }
0x112: {  	[tilespmem:s5], [sflag:$0x5] =	stream.linear.gather [spmem:s9], $0x1800, $0x38;
	[tilespmem:$0x1A6F8] =	vst v63  }
0x113: {  	_ =	swait.ge [sflag:s2], $0x1800  }
0x114: {  	[sflag:s2] =	ssyncset.done $0x0  }
0x115: {  	s10 =	rddreg [dreg:$0x1d];
	[sflag:s2] =	ssyncadd.s32 $0xFFFFE800  }
0x116: {  	[hbm4b:s10+s3] =	stream.linear.scatter [tilespmem:s5], [sflag:$0x5], $0x1800, $0x38;
	[tilespmem:$0x1A6F8] =	vst v63  }
0x117: {  	_ =	swait.ge [sflag:s2], $0x1800  }
0x118: {  	[sflag:s2] =	ssyncset.done $0x0  }
0x119: {  	s11 =	rddreg [dreg:$0x11];
	[sflag:s2] =	ssyncadd.s32 $0xFFFFE800  }
0x11a: {  	[tilespmem:s5], [sflag:$0x5] =	stream.linear.gather [spmem:s11], $0x1800, $0x38;
	[tilespmem:$0x1A6F8] =	vst v63  }
0x11b: {  	_ =	swait.ge [sflag:s2], $0x1800  }
0x11c: {  	[sflag:s2] =	ssyncset.done $0x0  }
0x11d: {  	[sflag:s2] =	ssyncadd.s32 $0xFFFFE800  }
0x11e: {  	[hbm4b:s30+s3] =	stream.linear.scatter [tilespmem:s5], [sflag:$0x5], $0x1800, $0x38;
	[tilespmem:$0x1A6F8] =	vst v63  }
0x11f: {  	_ =	swait.ge [sflag:s2], $0x1800  }
0x120: {  	[sflag:s2] =	ssyncset.done $0x0  }
0x121: {  	s12 =	rddreg [dreg:$0x10];
	[sflag:s2] =	ssyncadd.s32 $0xFFFFE800  }
0x122: {  	[tilespmem:s5], [sflag:$0x5] =	stream.linear.gather [spmem:s12], $0x1800, $0x38;
	[tilespmem:$0x1A6F8] =	vst v63  }
0x123: {  	_ =	swait.ge [sflag:s2], $0x1800  }
0x124: {  	[sflag:s2] =	ssyncset.done $0x0  }
0x125: {  	[sflag:s2] =	ssyncadd.s32 $0xFFFFE800  }
0x126: {  	[hbm4b:s13+s3] =	stream.linear.scatter [tilespmem:s5], [sflag:$0x5], $0x1800, $0x38;
	[tilespmem:$0x1A6F8] =	vst v63  }
0x127: {  	_ =	swait.ge [sflag:s2], $0x1800  }
0x128: {  	[sflag:s2] =	ssyncset.done $0x0  }
0x129: {  	s13 =	rddreg [dreg:$0xe];
	[sflag:s2] =	ssyncadd.s32 $0xFFFFE800  }
0x12a: {  	[tilespmem:s5], [sflag:$0x5] =	stream.linear.gather [spmem:s13], $0x1800, $0x38;
	[tilespmem:$0x1A6F8] =	vst v63  }
0x12b: {  	_ =	swait.ge [sflag:s2], $0x1800  }
0x12c: {  	[sflag:s2] =	ssyncset.done $0x0  }
0x12d: {  	s14 =	rddreg [dreg:$0x1c];
	[sflag:s2] =	ssyncadd.s32 $0xFFFFE800  }
0x12e: {  	[hbm4b:s14+s3] =	stream.linear.scatter [tilespmem:s5], [sflag:$0x5], $0x1800, $0x38;
	[tilespmem:$0x1A6F8] =	vst v63  }
0x12f: {  	_ =	swait.ge [sflag:s2], $0x1800  }
0x130: {  	[sflag:s2] =	ssyncset.done $0x0  }
0x131: {  	s15 =	rddreg [dreg:$0xd];
	[sflag:s2] =	ssyncadd.s32 $0xFFFFE800  }
0x132: {  	[tilespmem:s5], [sflag:$0x5] =	stream.linear.gather [spmem:s15], $0x1800, $0x38;
	[tilespmem:$0x1A6F8] =	vst v63  }
0x133: {  	_ =	swait.ge [sflag:s2], $0x1800  }
0x134: {  	[sflag:s2] =	ssyncset.done $0x0  }
0x135: {  	s20 =	rddreg [dreg:$0x1b];
	[sflag:s2] =	ssyncadd.s32 $0xFFFFE800  }
0x136: {  	[hbm4b:s20+s3] =	stream.linear.scatter [tilespmem:s5], [sflag:$0x5], $0x1800, $0x38;
	[tilespmem:$0x1A6F8] =	vst v63  }
0x137: {  	_ =	swait.ge [sflag:s2], $0x1800  }
0x138: {  	[sflag:s2] =	ssyncset.done $0x0  }
0x139: {  	s22 =	rddreg [dreg:$0xc];
	[sflag:s2] =	ssyncadd.s32 $0xFFFFE800  }
0x13a: {  	[tilespmem:s5], [sflag:$0x5] =	stream.linear.gather [spmem:s22], $0x1800, $0x38;
	[tilespmem:$0x1A6F8] =	vst v63  }
0x13b: {  	_ =	swait.ge [sflag:s2], $0x1800  }
0x13c: {  	[sflag:s2] =	ssyncset.done $0x0  }
0x13d: {  	s23 =	rddreg [dreg:$0x1a];
	[sflag:s2] =	ssyncadd.s32 $0xFFFFE800  }
0x13e: {  	[hbm4b:s23+s3] =	stream.linear.scatter [tilespmem:s5], [sflag:$0x5], $0x1800, $0x38;
	[tilespmem:$0x1A6F8] =	vst v63  }
0x13f: {  	_ =	swait.ge [sflag:s2], $0x1800  }
0x140: {  	[sflag:s2] =	ssyncset.done $0x0  }
0x141: {  	s24 =	rddreg [dreg:$0xb];
	[sflag:s2] =	ssyncadd.s32 $0xFFFFE800  }
0x142: {  	[tilespmem:s5], [sflag:$0x5] =	stream.linear.gather [spmem:s24], $0x1800, $0x38;
	[tilespmem:$0x1A6F8] =	vst v63  }
0x143: {  	_ =	swait.ge [sflag:s2], $0x1800  }
0x144: {  	[sflag:s2] =	ssyncset.done $0x0  }
0x145: {  	s25 =	rddreg [dreg:$0x19];
	[sflag:s2] =	ssyncadd.s32 $0xFFFFE800  }
0x146: {  	[hbm4b:s25+s3] =	stream.linear.scatter [tilespmem:s5], [sflag:$0x5], $0x1800, $0x38;
	[tilespmem:$0x1A6F8] =	vst v63  }
0x147: {  	_ =	swait.ge [sflag:s2], $0x1800  }
0x148: {  	[sflag:s2] =	ssyncset.done $0x0  }
0x149: {  	s26 =	rddreg [dreg:$0xa];
	[sflag:s2] =	ssyncadd.s32 $0xFFFFE800  }
0x14a: {  	[tilespmem:s5], [sflag:$0x5] =	stream.linear.gather [spmem:s26], $0x1800, $0x38;
	[tilespmem:$0x1A6F8] =	vst v63  }
0x14b: {  	_ =	swait.ge [sflag:s2], $0x1800  }
0x14c: {  	[sflag:s2] =	ssyncset.done $0x0  }
0x14d: {  	[sflag:s2] =	ssyncadd.s32 $0xFFFFE800  }
0x14e: {  	[hbm4b:s31+s3] =	stream.linear.scatter [tilespmem:s5], [sflag:$0x5], $0x1800, $0x38;
	[tilespmem:$0x1A6F8] =	vst v63  }
0x14f: {  	_ =	swait.ge [sflag:s2], $0x1800  }
0x150: {  	[sflag:s2] =	ssyncset.done $0x0  }
0x151: {  	s28 =	rddreg [dreg:$0x9];
	[sflag:s2] =	ssyncadd.s32 $0xFFFFE800  }
0x152: {  	[tilespmem:s5], [sflag:$0x5] =	stream.linear.gather [spmem:s28], $0x1800, $0x38;
	[tilespmem:$0x1A6F8] =	vst v63  }
0x153: {  	_ =	swait.ge [sflag:s2], $0x1800  }
0x154: {  	[sflag:s2] =	ssyncset.done $0x0  }
0x155: {  	[sflag:s2] =	ssyncadd.s32 $0xFFFFE800  }
0x156: {  	[hbm4b:s21+s3] =	stream.linear.scatter [tilespmem:s5], [sflag:$0x5], $0x1800, $0x38;
	[tilespmem:$0x1A6F8] =	vst v63  }
0x157: {  	_ =	swait.ge [sflag:s2], $0x1800  }
0x158: {  	[sflag:s2] =	ssyncset.done $0x0  }
0x159: {  	s29 =	rddreg [dreg:$0x8];
	[sflag:s2] =	ssyncadd.s32 $0xFFFFE800  }
0x15a: {  	[tilespmem:s5], [sflag:$0x5] =	stream.linear.gather [spmem:s29], $0x1800, $0x38;
	[tilespmem:$0x1A6F8] =	vst v63  }
0x15b: {  	_ =	swait.ge [sflag:s2], $0x1800  }
0x15c: {  	[sflag:s2] =	ssyncset.done $0x0  }
0x15d: {  	[sflag:s2] =	ssyncadd.s32 $0xFFFFE800  }
0x15e: {  	[hbm4b:s19+s3] =	stream.linear.scatter [tilespmem:s5], [sflag:$0x5], $0x1800, $0x38;
	[tilespmem:$0x1A6F8] =	vst v63  }
0x15f: {  	_ =	swait.ge [sflag:s2], $0x1800  }
0x160: {  	[sflag:s2] =	ssyncset.done $0x0  }
0x161: {  	s0 =	simm.s32 @!p0 $0x5100;
	s4 =	rddreg [dreg:$0x13];
	[sflag:s2] =	ssyncadd.s32 $0xFFFFE800  }
0x162: {  	[tilespmem:s0], [sflag:$0x5] =	stream.linear.gather @!p0 [spmem:s4], $0x800, $0x38;
	[tilespmem:$0x1A6F8] =	vst v63  }
0x163: {  	s4 =	simm.s32 @!p0 $0x5  }
0x164: {  	_ =	swait.ge @!p0 [sflag:s4], $0x800  }
0x165: {  	[sflag:s4] =	ssyncset.done @!p0 $0x0  }
0x166: {  	s5 =	simm.s32 @!p0 $0x0;
	[sflag:s4] =	ssyncadd.s32 @!p0 $0xFFFFF800  }
0x167: {  	[hbm4b:s18+s5] =	stream.linear.scatter @!p0 [tilespmem:s0], [sflag:$0x5], $0x800, $0x38;
	[tilespmem:$0x1A6F8] =	vst v63  }
0x168: {  	_ =	swait.ge @!p0 [sflag:s4], $0x800  }
0x169: {  	[sflag:s4] =	ssyncset.done @!p0 $0x0  }
0x16a: {  	s30 =	simm.s32 $0x6980;
	s31 =	rddreg [dreg:$0x7];
	[sflag:s4] =	ssyncadd.s32 @!p0 $0xFFFFF800  }
0x16b: {  	[tilespmem:s30], [sflag:$0x5] =	stream.linear.gather [spmem:s31], $0x270, $0x38;
	[tilespmem:$0x1A6F8] =	vst v63  }
0x16c: {  	_ =	swait.ge [sflag:s2], $0x270  }
0x16d: {  	[sflag:s2] =	ssyncset.done $0x0  }
0x16e: {  	[sflag:s2] =	ssyncadd.s32 $0xFFFFFD90  }
0x16f: {  	[hbm4b:s17+s3] =	stream.linear.scatter [tilespmem:s30], [sflag:$0x5], $0x270, $0x38;
	[tilespmem:$0x1A6F8] =	vst v63  }
0x170: {  	_ =	swait.ge [sflag:s2], $0x270  }
0x171: {  	[sflag:s2] =	ssyncset.done $0x0  }
0x172: {  	s0 =	simm.s32 @!p0 $0x6980;
	[sflag:s2] =	ssyncadd.s32 $0xFFFFFD90;
	s2 =	rddreg [dreg:$0xf]  }
0x173: {  	[tilespmem:s0], [sflag:$0x5] =	stream.linear.gather @!p0 [spmem:s2], $0x10, $0x38;
	[tilespmem:$0x1A6F8] =	vst v63  }
0x174: {  	_ =	swait.ge @!p0 [sflag:s4], $0x10  }
0x175: {  	[sflag:s4] =	ssyncset.done @!p0 $0x0  }
0x176: {  	[sflag:s4] =	ssyncadd.s32 @!p0 $0xFFFFFFF0  }
0x177: {  	[hbm4b:s16+s5] =	stream.linear.scatter @!p0 [tilespmem:s0], [sflag:$0x5], $0x10, $0x38;
	[tilespmem:$0x1A6F8] =	vst v63  }
0x178: {  	_ =	swait.ge @!p0 [sflag:s4], $0x10  }
0x179: {  	[sflag:s4] =	ssyncset.done @!p0 $0x0  }
0x17a: {  	[sflag:s4] =	ssyncadd.s32 @!p0 $0xFFFFFFF0  }
0x17b: {  	_ =	sfence.sel $0x180000  }
0x17c: {  	[bflag:$0x0] =	sbarrier.arrive $0xFFFF  }
0x17d: {  	_ =	strace $0x90000047  }
0x17e: {  	[bflag:$0x2] =	sbarrier.arrive $0xFFFF  }
0x17f: {  	p0 =	sne.s32 s1, $0x0;
	s0 =	rddreg [dreg:$0x6]  }
0x180: {  	s0 =	sadd.s32 @!p0 $0x100000, s0  }
0x181: {  	[sflag:s0] =	ssyncadd.tile.s32 @!p0 $0x1;
	_ =	shalt  }
.Lfunc_end2:
_tile_overlayer_lowered:
.L_overlay_start_2:
0x182: {  	(tag) =	ssettag $0x2  }
0x183: {  	s0 =	rddreg [dreg:$0x0];
	s2 =	stileid.u32  }
0x184: {  	s1 =	rddreg [dreg:$0x1];
	p0 =	sne.s32 s2, $0x0  }
0x185: {  	s3 =	rddreg [dreg:$0x2];
	[bflag:$0x3] =	sbarrier.arrive $0xFFFF;
	s2 =	simm.s32 @!p0 $0x1C05  }
0x186: {  	[timem:s3], [sflag:s2] =	dma.local @!p0 [hbm:s0], s1  }
0x187: {  	s0 =	simm.s32 @!p0 $0x5  }
0x188: {  	_ =	swait.ge @!p0 [sflag:s0], s1  }
0x189: {  	s1 =	ssub.s32 @!p0 $0x0, s1;
	[sflag:s0] =	ssyncset.done @!p0 $0x0  }
0x18a: {  	[sflag:s0] =	ssyncadd.s32 @!p0 s1  }
0x18b: {  	[bflag:$0x3] =	sbarrier.arrive $0xFFFF  }
0x18c: {  	_ =	shalt  }

</sc_bundles>
